<compile_context>
chip_gen: v7x
topology: tpu7x:2x2x1
jax: 0.10.2.dev20260603
libtpu: 0.0.44.dev20260713+nightly
codegen_flags: <defaults>
</compile_context>

<pallas_src>
import jax
import jax.numpy as jnp
from jax import lax
from jax.experimental import pallas as pl
from jax.experimental.pallas import tpu as pltpu
from jax.experimental.pallas import tpu_sc as plsc

BATCH = 4096
SEQ_LEN = 2048
ALPHABET = 5
LANES = 16

NUM_CORES = 2
NUM_SUBCORES = 16
NUM_WORKERS = NUM_CORES * NUM_SUBCORES

TILE_R = 8
TILE_C = 1024
COLS_TILES = SEQ_LEN // TILE_C
NG = (BATCH // TILE_R) * COLS_TILES // NUM_WORKERS
BLOCKS_G = TILE_R * TILE_C // LANES
CBLK = TILE_C // LANES


def _sc_body(seq_hbm, tbl_hbm, out_hbm,
             seq0, seq1, out0, out1, tbl_v, si0, si1, so0, so1):
    wid = lax.axis_index("s") * NUM_CORES + lax.axis_index("c")
    g0 = wid * NG
    seqb, outb = (seq0, seq1), (out0, out1)
    sis, sos = (si0, si1), (so0, so1)

    pltpu.sync_copy(tbl_hbm, tbl_v)

    def tile_origin(g):
        gg = g0 + g
        r0 = (gg // COLS_TILES) * TILE_R
        c0 = (gg % COLS_TILES) * TILE_C
        return r0, c0

    def load(g, s):
        r0, c0 = tile_origin(g)
        pltpu.async_copy(
            seq_hbm.at[pl.ds(r0, TILE_R), pl.ds(c0, TILE_C)], seqb[s], sis[s])

    def wait_load(g, s):
        r0, c0 = tile_origin(g)
        pltpu.make_async_copy(
            seq_hbm.at[pl.ds(r0, TILE_R), pl.ds(c0, TILE_C)], seqb[s],
            sis[s]).wait()

    def store(g, s):
        r0, c0 = tile_origin(g)
        pltpu.async_copy(
            outb[s], out_hbm.at[:, pl.ds(r0, TILE_R), pl.ds(c0, TILE_C)],
            sos[s])

    def wait_store(g, s):
        r0, c0 = tile_origin(g)
        pltpu.make_async_copy(
            outb[s], out_hbm.at[:, pl.ds(r0, TILE_R), pl.ds(c0, TILE_C)],
            sos[s]).wait()

    def compute(sv, ov):
        @plsc.parallel_loop(0, TILE_R * TILE_C, step=LANES, unroll=4)
        def _(i):
            r = i >> 10
            c = i & (TILE_C - 1)
            sg = sv[r, pl.ds(c, LANES)]
            for k in range(ALPHABET):
                val = plsc.load_gather(tbl_v, [sg + (8 * k)])
                ov[k, r, pl.ds(c, LANES)] = val

    load(0, 0)
    load(1, 1)

    def pair_body(p, _):
        for s in range(2):
            g = 2 * p + s
            wait_load(g, s)

            @pl.when(g >= 2)
            def _():
                wait_store(g - 2, s)

            compute(seqb[s], outb[s])
            store(g, s)

            @pl.when(g + 2 < NG)
            def _():
                load(g + 2, s)
        return ()

    lax.fori_loop(0, NG // 2, pair_body, ())
    wait_store(NG - 2, 0)
    wait_store(NG - 1, 1)


@jax.jit
def _encode(seq, tblT_pad):
    mesh = plsc.VectorSubcoreMesh(core_axis_name="c", subcore_axis_name="s")
    run = pl.kernel(
        _sc_body,
        out_type=jax.ShapeDtypeStruct((ALPHABET, BATCH, SEQ_LEN), jnp.float32),
        mesh=mesh,
        compiler_params=pltpu.CompilerParams(needs_layout_passes=False, use_tc_tiling_on_sc=True),
        scratch_types=[
            pltpu.VMEM((TILE_R, TILE_C), jnp.int32),
            pltpu.VMEM((TILE_R, TILE_C), jnp.int32),
            pltpu.VMEM((ALPHABET, TILE_R, TILE_C), jnp.float32),
            pltpu.VMEM((ALPHABET, TILE_R, TILE_C), jnp.float32),
            pltpu.VMEM((64,), jnp.float32),
            pltpu.SemaphoreType.DMA,
            pltpu.SemaphoreType.DMA,
            pltpu.SemaphoreType.DMA,
            pltpu.SemaphoreType.DMA,
        ],
    )
    return run(seq, tblT_pad)


def kernel(sequences, onehot_matrix):
    seq = sequences.astype(jnp.int32)
    tblT = jnp.pad(onehot_matrix.T.astype(jnp.float32), ((0, 0), (0, 3)))
    tblT_pad = jnp.pad(tblT.reshape(-1), (0, 24))
    out5 = _encode(seq, tblT_pad)
    return jnp.transpose(out5, (1, 2, 0))

# --- scband reference (transcript-rebuilt; emitter-appended) ---
"""Pipeline reference for scband-nucleotide-encoder-15006615733922 (READ-ONLY COPY).

The authoritative reference and input builder live on the scoring server;
editing this copy changes nothing except your own understanding.
"""

import jax, jax.numpy as jnp
import numpy as np

BATCH = 4096
SEQ_LEN = 2048
ALPHABET = 5


def setup_inputs(seed: int = 0) -> dict:
    key = jax.random.key(seed)
    k1, _ = jax.random.split(key)
    sequences = jax.random.randint(k1, (BATCH, SEQ_LEN), 0, ALPHABET, dtype=jnp.int64 if jax.config.jax_enable_x64 else jnp.int32)
    onehot_matrix = jnp.eye(ALPHABET, dtype=jnp.float32)
    return {"sequences": sequences, "onehot_matrix": onehot_matrix}


def reference(sequences, onehot_matrix):
    # Faithful translation of the 'onehot' branch of NucleotideEncoder.forward:
    # encoded[i, :len(seq)] = onehot_matrix[indices]
    # All sequences are pre-tokenized to indices in [0, 5) and same length,
    # so the per-sequence loop collapses to a single batched gather.
    encoded = jnp.take(onehot_matrix, sequences, axis=0)  # [B, L, 5]
    return encoded

if __name__ == "__main__":
    import jax
    _d = setup_inputs()
    print(jax.jit(kernel)(*tuple(_d.values())))

</pallas_src>

<mosaic_0001>
#map = affine_map<(d0, d1) -> (0, 0)>
#map1 = affine_map<(d0, d1) -> (0)>
#map2 = affine_map<(d0, d1) -> (0, 0, 0)>
module attributes {stable_mosaic.version = 14 : i64} {
  func.func @_sc_body(%arg0: i32, %arg1: i32, %arg2: memref<4096x2048xi32, #tpu.memory_space<hbm>>, %arg3: memref<64xf32, #tpu.memory_space<hbm>>, %arg4: memref<5x4096x2048xf32, #tpu.memory_space<hbm>>, %arg5: memref<8x1024xi32, #tpu.memory_space<vmem>>, %arg6: memref<8x1024xi32, #tpu.memory_space<vmem>>, %arg7: memref<5x8x1024xf32, #tpu.memory_space<vmem>>, %arg8: memref<5x8x1024xf32, #tpu.memory_space<vmem>>, %arg9: memref<64xf32, #tpu.memory_space<vmem>>, %arg10: memref<!tpu.dma_semaphore, #tpu.memory_space<semaphore_mem>>, %arg11: memref<!tpu.dma_semaphore, #tpu.memory_space<semaphore_mem>>, %arg12: memref<!tpu.dma_semaphore, #tpu.memory_space<semaphore_mem>>, %arg13: memref<!tpu.dma_semaphore, #tpu.memory_space<semaphore_mem>>) attributes {dimension_semantics = [#tpu.dimension_semantics<core_parallel>, #tpu.dimension_semantics<subcore_parallel>], iteration_bounds = array<i64: 2, 16>, scalar_prefetch = 0 : i64, scratch_operands = 9 : i64, tpu.core_type = #tpu.core_type<sc_vector_subcore>, window_params = [{transform_indices = #map}, {transform_indices = #map1}, {transform_indices = #map2}]} {
    %mul3A = arith.constant 2 : i32
    %mul3A_0 = arith.muli %arg1, %mul3A : i32
    %add3A = arith.addi %mul3A_0, %arg0 : i32
    %mul3A_1 = arith.constant 32 : i32
    %mul3A_2 = arith.muli %add3A, %mul3A_1 : i32
    "tpu.region"() ({
      %run_scoped3A = tpu.sem_alloc : memref<!tpu.dma_semaphore, #tpu.memory_space<semaphore_mem>>
      tpu.enqueue_dma source(%arg3 : memref<64xf32, #tpu.memory_space<hbm>>) target(%arg9 : memref<64xf32, #tpu.memory_space<vmem>>) target_semaphore(%run_scoped3A : memref<!tpu.dma_semaphore, #tpu.memory_space<semaphore_mem>>)
      tpu.wait_dma2 semaphore(%run_scoped3A : memref<!tpu.dma_semaphore, #tpu.memory_space<semaphore_mem>>) src(%arg3 : memref<64xf32, #tpu.memory_space<hbm>>) dst(%arg9 : memref<64xf32, #tpu.memory_space<vmem>>)
      tpu.yield
    }) : () -> ()
    %add3A_3 = arith.constant 0 : i32
    %add3A_4 = arith.addi %mul3A_2, %add3A_3 : i32
    %jit3A = arith.constant 2 : i32
    %div3A = arith.divsi %add3A_4, %jit3A : i32
    %sign3A = arith.constant 0 : i32
    %sign3A_5 = arith.cmpi sgt, %add3A_4, %sign3A : i32
    %sign3A_6 = arith.extui %sign3A_5 : i1 to i32
    %sign3A_7 = arith.constant 0 : i32
    %sign3A_8 = arith.cmpi slt, %add3A_4, %sign3A_7 : i32
    %sign3A_9 = arith.extui %sign3A_8 : i1 to i32
    %sign3A_10 = arith.subi %sign3A_6, %sign3A_9 : i32
    %sign3A_11 = arith.constant 0 : i32
    %sign3A_12 = arith.cmpi sgt, %jit3A, %sign3A_11 : i32
    %sign3A_13 = arith.extui %sign3A_12 : i1 to i32
    %sign3A_14 = arith.constant 0 : i32
    %sign3A_15 = arith.cmpi slt, %jit3A, %sign3A_14 : i32
    %sign3A_16 = arith.extui %sign3A_15 : i1 to i32
    %sign3A_17 = arith.subi %sign3A_13, %sign3A_16 : i32
    %ne3A = arith.cmpi ne, %sign3A_10, %sign3A_17 : i32
    %rem3A = arith.remsi %add3A_4, %jit3A : i32
    %ne3A_18 = arith.constant 0 : i32
    %ne3A_19 = arith.cmpi ne, %rem3A, %ne3A_18 : i32
    %and3A = arith.andi %ne3A, %ne3A_19 : i1
    %sub3A = arith.constant 1 : i32
    %sub3A_20 = arith.subi %div3A, %sub3A : i32
    %select_n3A = arith.select %and3A, %sub3A_20, %div3A : i32
    %mul3A_21 = arith.constant 8 : i32
    %mul3A_22 = arith.muli %select_n3A, %mul3A_21 : i32
    %jit3A_23 = arith.constant 2 : i32
    %eq3A = arith.constant 0 : i32
    %eq3A_24 = arith.cmpi eq, %jit3A_23, %eq3A : i32
    %jit3A_25 = arith.constant 1 : i32
    %select_n3A_26 = arith.select %eq3A_24, %jit3A_25, %jit3A_23 : i32
    %rem3A_27 = arith.remsi %add3A_4, %select_n3A_26 : i32
    %ne3A_28 = arith.constant 0 : i32
    %ne3A_29 = arith.cmpi ne, %rem3A_27, %ne3A_28 : i32
    %lt3A = arith.constant 0 : i32
    %lt3A_30 = arith.cmpi slt, %rem3A_27, %lt3A : i32
    %lt3A_31 = arith.constant 0 : i32
    %lt3A_32 = arith.cmpi slt, %select_n3A_26, %lt3A_31 : i32
    %ne3A_33 = arith.xori %lt3A_30, %lt3A_32 : i1
    %and3A_34 = arith.andi %ne3A_33, %ne3A_29 : i1
    %add3A_35 = arith.addi %rem3A_27, %select_n3A_26 : i32
    %select_n3A_36 = arith.select %and3A_34, %add3A_35, %rem3A_27 : i32
    %mul3A_37 = arith.constant 1024 : i32
    %mul3A_38 = arith.muli %select_n3A_36, %mul3A_37 : i32
    %dma_start3A = tpu.memref_slice %arg2[%mul3A_22, %mul3A_38] : memref<4096x2048xi32, #tpu.memory_space<hbm>> -> memref<8x1024xi32, #tpu.memory_space<hbm>>
    %dma_start3A_39 = tpu.memref_slice %arg2[%mul3A_22, %mul3A_38] : memref<4096x2048xi32, #tpu.memory_space<hbm>> -> memref<8x1024xi32, #tpu.memory_space<hbm>>
    tpu.enqueue_dma source(%dma_start3A_39 : memref<8x1024xi32, #tpu.memory_space<hbm>>) target(%arg5 : memref<8x1024xi32, #tpu.memory_space<vmem>>) target_semaphore(%arg10 : memref<!tpu.dma_semaphore, #tpu.memory_space<semaphore_mem>>)
    %add3A_40 = arith.constant 1 : i32
    %add3A_41 = arith.addi %mul3A_2, %add3A_40 : i32
    %jit3A_42 = arith.constant 2 : i32
    %div3A_43 = arith.divsi %add3A_41, %jit3A_42 : i32
    %sign3A_44 = arith.constant 0 : i32
    %sign3A_45 = arith.cmpi sgt, %add3A_41, %sign3A_44 : i32
    %sign3A_46 = arith.extui %sign3A_45 : i1 to i32
    %sign3A_47 = arith.constant 0 : i32
    %sign3A_48 = arith.cmpi slt, %add3A_41, %sign3A_47 : i32
    %sign3A_49 = arith.extui %sign3A_48 : i1 to i32
    %sign3A_50 = arith.subi %sign3A_46, %sign3A_49 : i32
    %sign3A_51 = arith.constant 0 : i32
    %sign3A_52 = arith.cmpi sgt, %jit3A_42, %sign3A_51 : i32
    %sign3A_53 = arith.extui %sign3A_52 : i1 to i32
    %sign3A_54 = arith.constant 0 : i32
    %sign3A_55 = arith.cmpi slt, %jit3A_42, %sign3A_54 : i32
    %sign3A_56 = arith.extui %sign3A_55 : i1 to i32
    %sign3A_57 = arith.subi %sign3A_53, %sign3A_56 : i32
    %ne3A_58 = arith.cmpi ne, %sign3A_50, %sign3A_57 : i32
    %rem3A_59 = arith.remsi %add3A_41, %jit3A_42 : i32
    %ne3A_60 = arith.constant 0 : i32
    %ne3A_61 = arith.cmpi ne, %rem3A_59, %ne3A_60 : i32
    %and3A_62 = arith.andi %ne3A_58, %ne3A_61 : i1
    %sub3A_63 = arith.constant 1 : i32
    %sub3A_64 = arith.subi %div3A_43, %sub3A_63 : i32
    %select_n3A_65 = arith.select %and3A_62, %sub3A_64, %div3A_43 : i32
    %mul3A_66 = arith.constant 8 : i32
    %mul3A_67 = arith.muli %select_n3A_65, %mul3A_66 : i32
    %jit3A_68 = arith.constant 2 : i32
    %eq3A_69 = arith.constant 0 : i32
    %eq3A_70 = arith.cmpi eq, %jit3A_68, %eq3A_69 : i32
    %jit3A_71 = arith.constant 1 : i32
    %select_n3A_72 = arith.select %eq3A_70, %jit3A_71, %jit3A_68 : i32
    %rem3A_73 = arith.remsi %add3A_41, %select_n3A_72 : i32
    %ne3A_74 = arith.constant 0 : i32
    %ne3A_75 = arith.cmpi ne, %rem3A_73, %ne3A_74 : i32
    %lt3A_76 = arith.constant 0 : i32
    %lt3A_77 = arith.cmpi slt, %rem3A_73, %lt3A_76 : i32
    %lt3A_78 = arith.constant 0 : i32
    %lt3A_79 = arith.cmpi slt, %select_n3A_72, %lt3A_78 : i32
    %ne3A_80 = arith.xori %lt3A_77, %lt3A_79 : i1
    %and3A_81 = arith.andi %ne3A_80, %ne3A_75 : i1
    %add3A_82 = arith.addi %rem3A_73, %select_n3A_72 : i32
    %select_n3A_83 = arith.select %and3A_81, %add3A_82, %rem3A_73 : i32
    %mul3A_84 = arith.constant 1024 : i32
    %mul3A_85 = arith.muli %select_n3A_83, %mul3A_84 : i32
    %dma_start3A_86 = tpu.memref_slice %arg2[%mul3A_67, %mul3A_85] : memref<4096x2048xi32, #tpu.memory_space<hbm>> -> memref<8x1024xi32, #tpu.memory_space<hbm>>
    %dma_start3A_87 = tpu.memref_slice %arg2[%mul3A_67, %mul3A_85] : memref<4096x2048xi32, #tpu.memory_space<hbm>> -> memref<8x1024xi32, #tpu.memory_space<hbm>>
    tpu.enqueue_dma source(%dma_start3A_87 : memref<8x1024xi32, #tpu.memory_space<hbm>>) target(%arg6 : memref<8x1024xi32, #tpu.memory_space<vmem>>) target_semaphore(%arg11 : memref<!tpu.dma_semaphore, #tpu.memory_space<semaphore_mem>>)
    %scan3A = arith.constant 0 : i32
    %scan3A_88 = arith.constant 16 : i32
    %scan3A_89 = arith.addi %scan3A, %scan3A_88 : i32
    %scan3A_90 = arith.constant 1 : i32
    scf.for %scan3A_191 = %scan3A to %scan3A_89 step %scan3A_90  : i32 {
      %mul3A_192 = arith.constant 2 : i32
      %mul3A_193 = arith.muli %mul3A_192, %scan3A_191 : i32
      %add3A_194 = arith.constant 0 : i32
      %add3A_195 = arith.addi %mul3A_193, %add3A_194 : i32
      %add3A_196 = arith.addi %mul3A_2, %add3A_195 : i32
      %jit3A_197 = arith.constant 2 : i32
      %div3A_198 = arith.divsi %add3A_196, %jit3A_197 : i32
      %sign3A_199 = arith.constant 0 : i32
      %sign3A_200 = arith.cmpi sgt, %add3A_196, %sign3A_199 : i32
      %sign3A_201 = arith.extui %sign3A_200 : i1 to i32
      %sign3A_202 = arith.constant 0 : i32
      %sign3A_203 = arith.cmpi slt, %add3A_196, %sign3A_202 : i32
      %sign3A_204 = arith.extui %sign3A_203 : i1 to i32
      %sign3A_205 = arith.subi %sign3A_201, %sign3A_204 : i32
      %sign3A_206 = arith.constant 0 : i32
      %sign3A_207 = arith.cmpi sgt, %jit3A_197, %sign3A_206 : i32
      %sign3A_208 = arith.extui %sign3A_207 : i1 to i32
      %sign3A_209 = arith.constant 0 : i32
      %sign3A_210 = arith.cmpi slt, %jit3A_197, %sign3A_209 : i32
      %sign3A_211 = arith.extui %sign3A_210 : i1 to i32
      %sign3A_212 = arith.subi %sign3A_208, %sign3A_211 : i32
      %ne3A_213 = arith.cmpi ne, %sign3A_205, %sign3A_212 : i32
      %rem3A_214 = arith.remsi %add3A_196, %jit3A_197 : i32
      %ne3A_215 = arith.constant 0 : i32
      %ne3A_216 = arith.cmpi ne, %rem3A_214, %ne3A_215 : i32
      %and3A_217 = arith.andi %ne3A_213, %ne3A_216 : i1
      %sub3A_218 = arith.constant 1 : i32
      %sub3A_219 = arith.subi %div3A_198, %sub3A_218 : i32
      %select_n3A_220 = arith.select %and3A_217, %sub3A_219, %div3A_198 : i32
      %mul3A_221 = arith.constant 8 : i32
      %mul3A_222 = arith.muli %select_n3A_220, %mul3A_221 : i32
      %jit3A_223 = arith.constant 2 : i32
      %eq3A_224 = arith.constant 0 : i32
      %eq3A_225 = arith.cmpi eq, %jit3A_223, %eq3A_224 : i32
      %jit3A_226 = arith.constant 1 : i32
      %select_n3A_227 = arith.select %eq3A_225, %jit3A_226, %jit3A_223 : i32
      %rem3A_228 = arith.remsi %add3A_196, %select_n3A_227 : i32
      %ne3A_229 = arith.constant 0 : i32
      %ne3A_230 = arith.cmpi ne, %rem3A_228, %ne3A_229 : i32
      %lt3A_231 = arith.constant 0 : i32
      %lt3A_232 = arith.cmpi slt, %rem3A_228, %lt3A_231 : i32
      %lt3A_233 = arith.constant 0 : i32
      %lt3A_234 = arith.cmpi slt, %select_n3A_227, %lt3A_233 : i32
      %ne3A_235 = arith.xori %lt3A_232, %lt3A_234 : i1
      %and3A_236 = arith.andi %ne3A_235, %ne3A_230 : i1
      %add3A_237 = arith.addi %rem3A_228, %select_n3A_227 : i32
      %select_n3A_238 = arith.select %and3A_236, %add3A_237, %rem3A_228 : i32
      %mul3A_239 = arith.constant 1024 : i32
      %mul3A_240 = arith.muli %select_n3A_238, %mul3A_239 : i32
      %dma_wait3A_241 = tpu.memref_slice %arg2[%mul3A_222, %mul3A_240] : memref<4096x2048xi32, #tpu.memory_space<hbm>> -> memref<8x1024xi32, #tpu.memory_space<hbm>>
      %dma_wait3A_242 = tpu.memref_slice %arg2[%mul3A_222, %mul3A_240] : memref<4096x2048xi32, #tpu.memory_space<hbm>> -> memref<8x1024xi32, #tpu.memory_space<hbm>>
      tpu.wait_dma2 semaphore(%arg10 : memref<!tpu.dma_semaphore, #tpu.memory_space<semaphore_mem>>) src(%dma_wait3A_242 : memref<8x1024xi32, #tpu.memory_space<hbm>>) dst(%arg5 : memref<8x1024xi32, #tpu.memory_space<vmem>>)
      %ge3A = arith.constant 2 : i32
      %ge3A_243 = arith.cmpi sge, %add3A_195, %ge3A : i32
      %convert_element_type3A = arith.extui %ge3A_243 : i1 to i32
      %cond3A = arith.constant 0 : i32
      %cond3A_244 = arith.cmpi ne, %convert_element_type3A, %cond3A : i32
      scf.if %cond3A_244 {
        %sub3A_418 = arith.constant 2 : i32
        %sub3A_419 = arith.subi %add3A_195, %sub3A_418 : i32
        %add3A_420 = arith.addi %mul3A_2, %sub3A_419 : i32
        %jit3A_421 = arith.constant 2 : i32
        %div3A_422 = arith.divsi %add3A_420, %jit3A_421 : i32
        %sign3A_423 = arith.constant 0 : i32
        %sign3A_424 = arith.cmpi sgt, %add3A_420, %sign3A_423 : i32
        %sign3A_425 = arith.extui %sign3A_424 : i1 to i32
        %sign3A_426 = arith.constant 0 : i32
        %sign3A_427 = arith.cmpi slt, %add3A_420, %sign3A_426 : i32
        %sign3A_428 = arith.extui %sign3A_427 : i1 to i32
        %sign3A_429 = arith.subi %sign3A_425, %sign3A_428 : i32
        %sign3A_430 = arith.constant 0 : i32
        %sign3A_431 = arith.cmpi sgt, %jit3A_421, %sign3A_430 : i32
        %sign3A_432 = arith.extui %sign3A_431 : i1 to i32
        %sign3A_433 = arith.constant 0 : i32
        %sign3A_434 = arith.cmpi slt, %jit3A_421, %sign3A_433 : i32
        %sign3A_435 = arith.extui %sign3A_434 : i1 to i32
        %sign3A_436 = arith.subi %sign3A_432, %sign3A_435 : i32
        %ne3A_437 = arith.cmpi ne, %sign3A_429, %sign3A_436 : i32
        %rem3A_438 = arith.remsi %add3A_420, %jit3A_421 : i32
        %ne3A_439 = arith.constant 0 : i32
        %ne3A_440 = arith.cmpi ne, %rem3A_438, %ne3A_439 : i32
        %and3A_441 = arith.andi %ne3A_437, %ne3A_440 : i1
        %sub3A_442 = arith.constant 1 : i32
        %sub3A_443 = arith.subi %div3A_422, %sub3A_442 : i32
        %select_n3A_444 = arith.select %and3A_441, %sub3A_443, %div3A_422 : i32
        %mul3A_445 = arith.constant 8 : i32
        %mul3A_446 = arith.muli %select_n3A_444, %mul3A_445 : i32
        %jit3A_447 = arith.constant 2 : i32
        %eq3A_448 = arith.constant 0 : i32
        %eq3A_449 = arith.cmpi eq, %jit3A_447, %eq3A_448 : i32
        %jit3A_450 = arith.constant 1 : i32
        %select_n3A_451 = arith.select %eq3A_449, %jit3A_450, %jit3A_447 : i32
        %rem3A_452 = arith.remsi %add3A_420, %select_n3A_451 : i32
        %ne3A_453 = arith.constant 0 : i32
        %ne3A_454 = arith.cmpi ne, %rem3A_452, %ne3A_453 : i32
        %lt3A_455 = arith.constant 0 : i32
        %lt3A_456 = arith.cmpi slt, %rem3A_452, %lt3A_455 : i32
        %lt3A_457 = arith.constant 0 : i32
        %lt3A_458 = arith.cmpi slt, %select_n3A_451, %lt3A_457 : i32
        %ne3A_459 = arith.xori %lt3A_456, %lt3A_458 : i1
        %and3A_460 = arith.andi %ne3A_459, %ne3A_454 : i1
        %add3A_461 = arith.addi %rem3A_452, %select_n3A_451 : i32
        %select_n3A_462 = arith.select %and3A_460, %add3A_461, %rem3A_452 : i32
        %mul3A_463 = arith.constant 1024 : i32
        %mul3A_464 = arith.muli %select_n3A_462, %mul3A_463 : i32
        %dma_wait3A_465 = arith.constant 0 : i32
        %dma_wait3A_466 = tpu.memref_slice %arg4[%dma_wait3A_465, %mul3A_446, %mul3A_464] : memref<5x4096x2048xf32, #tpu.memory_space<hbm>> -> memref<5x8x1024xf32, #tpu.memory_space<hbm>>
        %dma_wait3A_467 = arith.constant 0 : i32
        %dma_wait3A_468 = tpu.memref_slice %arg4[%dma_wait3A_467, %mul3A_446, %mul3A_464] : memref<5x4096x2048xf32, #tpu.memory_space<hbm>> -> memref<5x8x1024xf32, #tpu.memory_space<hbm>>
        tpu.wait_dma2 semaphore(%arg12 : memref<!tpu.dma_semaphore, #tpu.memory_space<semaphore_mem>>) src(%arg7 : memref<5x8x1024xf32, #tpu.memory_space<vmem>>) dst(%dma_wait3A_468 : memref<5x8x1024xf32, #tpu.memory_space<hbm>>)
      } else {
      }
      %parallel_loop3A = arith.constant 0 : i32
      %parallel_loop3A_245 = arith.constant 8192 : i32
      %parallel_loop3A_246 = arith.constant 16 : i32
      scf.for %parallel_loop3A_418 = %parallel_loop3A to %parallel_loop3A_245 step %parallel_loop3A_246  : i32 {
        %parallel_loop3A_419 = arith.constant 10 : i32
        %parallel_loop3A_420 = arith.shrsi %parallel_loop3A_418, %parallel_loop3A_419 : i32
        %parallel_loop3A_421 = arith.constant 1023 : i32
        %parallel_loop3A_422 = arith.andi %parallel_loop3A_418, %parallel_loop3A_421 : i32
        %parallel_loop3A_423 = arith.index_cast %parallel_loop3A_420 : i32 to index
        %parallel_loop3A_424 = arith.index_cast %parallel_loop3A_422 : i32 to index
        %parallel_loop3A_425 = tpu.vector_load %arg5[%parallel_loop3A_423, %parallel_loop3A_424] {strides = array<i32>} : memref<8x1024xi32, #tpu.memory_space<vmem>>, vector<16xi32>,
        %parallel_loop3A_426 = arith.constant 0 : i32
        %parallel_loop3A_427 = vector.broadcast %parallel_loop3A_426 : i32 to vector<16xi32>
        %parallel_loop3A_428 = arith.addi %parallel_loop3A_425, %parallel_loop3A_427 : vector<16xi32>
        %parallel_loop3A_429 = tpu.vector_load_idx %arg9[%parallel_loop3A_428] : memref<64xf32, #tpu.memory_space<vmem>>[vector<16xi32>], vector<16xf32>,
        %parallel_loop3A_430 = arith.constant 0 : i32
        %parallel_loop3A_431 = arith.index_cast %parallel_loop3A_430 : i32 to index
        %parallel_loop3A_432 = arith.index_cast %parallel_loop3A_420 : i32 to index
        %parallel_loop3A_433 = arith.index_cast %parallel_loop3A_422 : i32 to index
        %parallel_loop3A_434 = tpu.vector_load %arg7[%parallel_loop3A_431, %parallel_loop3A_432, %parallel_loop3A_433] {strides = array<i32>} : memref<5x8x1024xf32, #tpu.memory_space<vmem>>, vector<16xf32>,
        tpu.vector_store %arg7[%parallel_loop3A_431, %parallel_loop3A_432, %parallel_loop3A_433], %parallel_loop3A_429 {strides = array<i32>} : memref<5x8x1024xf32, #tpu.memory_space<vmem>>, vector<16xf32>,
        %parallel_loop3A_435 = arith.constant 8 : i32
        %parallel_loop3A_436 = vector.broadcast %parallel_loop3A_435 : i32 to vector<16xi32>
        %parallel_loop3A_437 = arith.addi %parallel_loop3A_425, %parallel_loop3A_436 : vector<16xi32>
        %parallel_loop3A_438 = tpu.vector_load_idx %arg9[%parallel_loop3A_437] : memref<64xf32, #tpu.memory_space<vmem>>[vector<16xi32>], vector<16xf32>,
        %parallel_loop3A_439 = arith.constant 1 : i32
        %parallel_loop3A_440 = arith.index_cast %parallel_loop3A_439 : i32 to index
        %parallel_loop3A_441 = arith.index_cast %parallel_loop3A_420 : i32 to index
        %parallel_loop3A_442 = arith.index_cast %parallel_loop3A_422 : i32 to index
        %parallel_loop3A_443 = tpu.vector_load %arg7[%parallel_loop3A_440, %parallel_loop3A_441, %parallel_loop3A_442] {strides = array<i32>} : memref<5x8x1024xf32, #tpu.memory_space<vmem>>, vector<16xf32>,
        tpu.vector_store %arg7[%parallel_loop3A_440, %parallel_loop3A_441, %parallel_loop3A_442], %parallel_loop3A_438 {strides = array<i32>} : memref<5x8x1024xf32, #tpu.memory_space<vmem>>, vector<16xf32>,
        %parallel_loop3A_444 = arith.constant 16 : i32
        %parallel_loop3A_445 = vector.broadcast %parallel_loop3A_444 : i32 to vector<16xi32>
        %parallel_loop3A_446 = arith.addi %parallel_loop3A_425, %parallel_loop3A_445 : vector<16xi32>
        %parallel_loop3A_447 = tpu.vector_load_idx %arg9[%parallel_loop3A_446] : memref<64xf32, #tpu.memory_space<vmem>>[vector<16xi32>], vector<16xf32>,
        %parallel_loop3A_448 = arith.constant 2 : i32
        %parallel_loop3A_449 = arith.index_cast %parallel_loop3A_448 : i32 to index
        %parallel_loop3A_450 = arith.index_cast %parallel_loop3A_420 : i32 to index
        %parallel_loop3A_451 = arith.index_cast %parallel_loop3A_422 : i32 to index
        %parallel_loop3A_452 = tpu.vector_load %arg7[%parallel_loop3A_449, %parallel_loop3A_450, %parallel_loop3A_451] {strides = array<i32>} : memref<5x8x1024xf32, #tpu.memory_space<vmem>>, vector<16xf32>,
        tpu.vector_store %arg7[%parallel_loop3A_449, %parallel_loop3A_450, %parallel_loop3A_451], %parallel_loop3A_447 {strides = array<i32>} : memref<5x8x1024xf32, #tpu.memory_space<vmem>>, vector<16xf32>,
        %parallel_loop3A_453 = arith.constant 24 : i32
        %parallel_loop3A_454 = vector.broadcast %parallel_loop3A_453 : i32 to vector<16xi32>
        %parallel_loop3A_455 = arith.addi %parallel_loop3A_425, %parallel_loop3A_454 : vector<16xi32>
        %parallel_loop3A_456 = tpu.vector_load_idx %arg9[%parallel_loop3A_455] : memref<64xf32, #tpu.memory_space<vmem>>[vector<16xi32>], vector<16xf32>,
        %parallel_loop3A_457 = arith.constant 3 : i32
        %parallel_loop3A_458 = arith.index_cast %parallel_loop3A_457 : i32 to index
        %parallel_loop3A_459 = arith.index_cast %parallel_loop3A_420 : i32 to index
        %parallel_loop3A_460 = arith.index_cast %parallel_loop3A_422 : i32 to index
        %parallel_loop3A_461 = tpu.vector_load %arg7[%parallel_loop3A_458, %parallel_loop3A_459, %parallel_loop3A_460] {strides = array<i32>} : memref<5x8x1024xf32, #tpu.memory_space<vmem>>, vector<16xf32>,
        tpu.vector_store %arg7[%parallel_loop3A_458, %parallel_loop3A_459, %parallel_loop3A_460], %parallel_loop3A_456 {strides = array<i32>} : memref<5x8x1024xf32, #tpu.memory_space<vmem>>, vector<16xf32>,
        %parallel_loop3A_462 = arith.constant 32 : i32
        %parallel_loop3A_463 = vector.broadcast %parallel_loop3A_462 : i32 to vector<16xi32>
        %parallel_loop3A_464 = arith.addi %parallel_loop3A_425, %parallel_loop3A_463 : vector<16xi32>
        %parallel_loop3A_465 = tpu.vector_load_idx %arg9[%parallel_loop3A_464] : memref<64xf32, #tpu.memory_space<vmem>>[vector<16xi32>], vector<16xf32>,
        %parallel_loop3A_466 = arith.constant 4 : i32
        %parallel_loop3A_467 = arith.index_cast %parallel_loop3A_466 : i32 to index
        %parallel_loop3A_468 = arith.index_cast %parallel_loop3A_420 : i32 to index
        %parallel_loop3A_469 = arith.index_cast %parallel_loop3A_422 : i32 to index
        %parallel_loop3A_470 = tpu.vector_load %arg7[%parallel_loop3A_467, %parallel_loop3A_468, %parallel_loop3A_469] {strides = array<i32>} : memref<5x8x1024xf32, #tpu.memory_space<vmem>>, vector<16xf32>,
        tpu.vector_store %arg7[%parallel_loop3A_467, %parallel_loop3A_468, %parallel_loop3A_469], %parallel_loop3A_465 {strides = array<i32>} : memref<5x8x1024xf32, #tpu.memory_space<vmem>>, vector<16xf32>,
      } {sc.loop_unroll_factor = 4 : i64, sc.parallel_access}
      %add3A_247 = arith.addi %mul3A_2, %add3A_195 : i32
      %jit3A_248 = arith.constant 2 : i32
      %div3A_249 = arith.divsi %add3A_247, %jit3A_248 : i32
      %sign3A_250 = arith.constant 0 : i32
      %sign3A_251 = arith.cmpi sgt, %add3A_247, %sign3A_250 : i32
      %sign3A_252 = arith.extui %sign3A_251 : i1 to i32
      %sign3A_253 = arith.constant 0 : i32
      %sign3A_254 = arith.cmpi slt, %add3A_247, %sign3A_253 : i32
      %sign3A_255 = arith.extui %sign3A_254 : i1 to i32
      %sign3A_256 = arith.subi %sign3A_252, %sign3A_255 : i32
      %sign3A_257 = arith.constant 0 : i32
      %sign3A_258 = arith.cmpi sgt, %jit3A_248, %sign3A_257 : i32
      %sign3A_259 = arith.extui %sign3A_258 : i1 to i32
      %sign3A_260 = arith.constant 0 : i32
      %sign3A_261 = arith.cmpi slt, %jit3A_248, %sign3A_260 : i32
      %sign3A_262 = arith.extui %sign3A_261 : i1 to i32
      %sign3A_263 = arith.subi %sign3A_259, %sign3A_262 : i32
      %ne3A_264 = arith.cmpi ne, %sign3A_256, %sign3A_263 : i32
      %rem3A_265 = arith.remsi %add3A_247, %jit3A_248 : i32
      %ne3A_266 = arith.constant 0 : i32
      %ne3A_267 = arith.cmpi ne, %rem3A_265, %ne3A_266 : i32
      %and3A_268 = arith.andi %ne3A_264, %ne3A_267 : i1
      %sub3A_269 = arith.constant 1 : i32
      %sub3A_270 = arith.subi %div3A_249, %sub3A_269 : i32
      %select_n3A_271 = arith.select %and3A_268, %sub3A_270, %div3A_249 : i32
      %mul3A_272 = arith.constant 8 : i32
      %mul3A_273 = arith.muli %select_n3A_271, %mul3A_272 : i32
      %jit3A_274 = arith.constant 2 : i32
      %eq3A_275 = arith.constant 0 : i32
      %eq3A_276 = arith.cmpi eq, %jit3A_274, %eq3A_275 : i32
      %jit3A_277 = arith.constant 1 : i32
      %select_n3A_278 = arith.select %eq3A_276, %jit3A_277, %jit3A_274 : i32
      %rem3A_279 = arith.remsi %add3A_247, %select_n3A_278 : i32
      %ne3A_280 = arith.constant 0 : i32
      %ne3A_281 = arith.cmpi ne, %rem3A_279, %ne3A_280 : i32
      %lt3A_282 = arith.constant 0 : i32
      %lt3A_283 = arith.cmpi slt, %rem3A_279, %lt3A_282 : i32
      %lt3A_284 = arith.constant 0 : i32
      %lt3A_285 = arith.cmpi slt, %select_n3A_278, %lt3A_284 : i32
      %ne3A_286 = arith.xori %lt3A_283, %lt3A_285 : i1
      %and3A_287 = arith.andi %ne3A_286, %ne3A_281 : i1
      %add3A_288 = arith.addi %rem3A_279, %select_n3A_278 : i32
      %select_n3A_289 = arith.select %and3A_287, %add3A_288, %rem3A_279 : i32
      %mul3A_290 = arith.constant 1024 : i32
      %mul3A_291 = arith.muli %select_n3A_289, %mul3A_290 : i32
      %dma_start3A_292 = arith.constant 0 : i32
      %dma_start3A_293 = tpu.memref_slice %arg4[%dma_start3A_292, %mul3A_273, %mul3A_291] : memref<5x4096x2048xf32, #tpu.memory_space<hbm>> -> memref<5x8x1024xf32, #tpu.memory_space<hbm>>
      %dma_start3A_294 = arith.constant 0 : i32
      %dma_start3A_295 = tpu.memref_slice %arg4[%dma_start3A_294, %mul3A_273, %mul3A_291] : memref<5x4096x2048xf32, #tpu.memory_space<hbm>> -> memref<5x8x1024xf32, #tpu.memory_space<hbm>>
      tpu.enqueue_dma source(%arg7 : memref<5x8x1024xf32, #tpu.memory_space<vmem>>) target(%dma_start3A_295 : memref<5x8x1024xf32, #tpu.memory_space<hbm>>) target_semaphore(%arg12 : memref<!tpu.dma_semaphore, #tpu.memory_space<semaphore_mem>>)
      %add3A_296 = arith.constant 2 : i32
      %add3A_297 = arith.addi %add3A_195, %add3A_296 : i32
      %lt3A_298 = arith.constant 32 : i32
      %lt3A_299 = arith.cmpi slt, %add3A_297, %lt3A_298 : i32
      %convert_element_type3A_300 = arith.extui %lt3A_299 : i1 to i32
      %cond3A_301 = arith.constant 0 : i32
      %cond3A_302 = arith.cmpi ne, %convert_element_type3A_300, %cond3A_301 : i32
      scf.if %cond3A_302 {
        %add3A_418 = arith.constant 2 : i32
        %add3A_419 = arith.addi %add3A_195, %add3A_418 : i32
        %add3A_420 = arith.addi %mul3A_2, %add3A_419 : i32
        %jit3A_421 = arith.constant 2 : i32
        %div3A_422 = arith.divsi %add3A_420, %jit3A_421 : i32
        %sign3A_423 = arith.constant 0 : i32
        %sign3A_424 = arith.cmpi sgt, %add3A_420, %sign3A_423 : i32
        %sign3A_425 = arith.extui %sign3A_424 : i1 to i32
        %sign3A_426 = arith.constant 0 : i32
        %sign3A_427 = arith.cmpi slt, %add3A_420, %sign3A_426 : i32
        %sign3A_428 = arith.extui %sign3A_427 : i1 to i32
        %sign3A_429 = arith.subi %sign3A_425, %sign3A_428 : i32
        %sign3A_430 = arith.constant 0 : i32
        %sign3A_431 = arith.cmpi sgt, %jit3A_421, %sign3A_430 : i32
        %sign3A_432 = arith.extui %sign3A_431 : i1 to i32
        %sign3A_433 = arith.constant 0 : i32
        %sign3A_434 = arith.cmpi slt, %jit3A_421, %sign3A_433 : i32
        %sign3A_435 = arith.extui %sign3A_434 : i1 to i32
        %sign3A_436 = arith.subi %sign3A_432, %sign3A_435 : i32
        %ne3A_437 = arith.cmpi ne, %sign3A_429, %sign3A_436 : i32
        %rem3A_438 = arith.remsi %add3A_420, %jit3A_421 : i32
        %ne3A_439 = arith.constant 0 : i32
        %ne3A_440 = arith.cmpi ne, %rem3A_438, %ne3A_439 : i32
        %and3A_441 = arith.andi %ne3A_437, %ne3A_440 : i1
        %sub3A_442 = arith.constant 1 : i32
        %sub3A_443 = arith.subi %div3A_422, %sub3A_442 : i32
        %select_n3A_444 = arith.select %and3A_441, %sub3A_443, %div3A_422 : i32
        %mul3A_445 = arith.constant 8 : i32
        %mul3A_446 = arith.muli %select_n3A_444, %mul3A_445 : i32
        %jit3A_447 = arith.constant 2 : i32
        %eq3A_448 = arith.constant 0 : i32
        %eq3A_449 = arith.cmpi eq, %jit3A_447, %eq3A_448 : i32
        %jit3A_450 = arith.constant 1 : i32
        %select_n3A_451 = arith.select %eq3A_449, %jit3A_450, %jit3A_447 : i32
        %rem3A_452 = arith.remsi %add3A_420, %select_n3A_451 : i32
        %ne3A_453 = arith.constant 0 : i32
        %ne3A_454 = arith.cmpi ne, %rem3A_452, %ne3A_453 : i32
        %lt3A_455 = arith.constant 0 : i32
        %lt3A_456 = arith.cmpi slt, %rem3A_452, %lt3A_455 : i32
        %lt3A_457 = arith.constant 0 : i32
        %lt3A_458 = arith.cmpi slt, %select_n3A_451, %lt3A_457 : i32
        %ne3A_459 = arith.xori %lt3A_456, %lt3A_458 : i1
        %and3A_460 = arith.andi %ne3A_459, %ne3A_454 : i1
        %add3A_461 = arith.addi %rem3A_452, %select_n3A_451 : i32
        %select_n3A_462 = arith.select %and3A_460, %add3A_461, %rem3A_452 : i32
        %mul3A_463 = arith.constant 1024 : i32
        %mul3A_464 = arith.muli %select_n3A_462, %mul3A_463 : i32
        %dma_start3A_465 = tpu.memref_slice %arg2[%mul3A_446, %mul3A_464] : memref<4096x2048xi32, #tpu.memory_space<hbm>> -> memref<8x1024xi32, #tpu.memory_space<hbm>>
        %dma_start3A_466 = tpu.memref_slice %arg2[%mul3A_446, %mul3A_464] : memref<4096x2048xi32, #tpu.memory_space<hbm>> -> memref<8x1024xi32, #tpu.memory_space<hbm>>
        tpu.enqueue_dma source(%dma_start3A_466 : memref<8x1024xi32, #tpu.memory_space<hbm>>) target(%arg5 : memref<8x1024xi32, #tpu.memory_space<vmem>>) target_semaphore(%arg10 : memref<!tpu.dma_semaphore, #tpu.memory_space<semaphore_mem>>)
      } else {
      }
      %mul3A_303 = arith.constant 2 : i32
      %mul3A_304 = arith.muli %mul3A_303, %scan3A_191 : i32
      %add3A_305 = arith.constant 1 : i32
      %add3A_306 = arith.addi %mul3A_304, %add3A_305 : i32
      %add3A_307 = arith.addi %mul3A_2, %add3A_306 : i32
      %jit3A_308 = arith.constant 2 : i32
      %div3A_309 = arith.divsi %add3A_307, %jit3A_308 : i32
      %sign3A_310 = arith.constant 0 : i32
      %sign3A_311 = arith.cmpi sgt, %add3A_307, %sign3A_310 : i32
      %sign3A_312 = arith.extui %sign3A_311 : i1 to i32
      %sign3A_313 = arith.constant 0 : i32
      %sign3A_314 = arith.cmpi slt, %add3A_307, %sign3A_313 : i32
      %sign3A_315 = arith.extui %sign3A_314 : i1 to i32
      %sign3A_316 = arith.subi %sign3A_312, %sign3A_315 : i32
      %sign3A_317 = arith.constant 0 : i32
      %sign3A_318 = arith.cmpi sgt, %jit3A_308, %sign3A_317 : i32
      %sign3A_319 = arith.extui %sign3A_318 : i1 to i32
      %sign3A_320 = arith.constant 0 : i32
      %sign3A_321 = arith.cmpi slt, %jit3A_308, %sign3A_320 : i32
      %sign3A_322 = arith.extui %sign3A_321 : i1 to i32
      %sign3A_323 = arith.subi %sign3A_319, %sign3A_322 : i32
      %ne3A_324 = arith.cmpi ne, %sign3A_316, %sign3A_323 : i32
      %rem3A_325 = arith.remsi %add3A_307, %jit3A_308 : i32
      %ne3A_326 = arith.constant 0 : i32
      %ne3A_327 = arith.cmpi ne, %rem3A_325, %ne3A_326 : i32
      %and3A_328 = arith.andi %ne3A_324, %ne3A_327 : i1
      %sub3A_329 = arith.constant 1 : i32
      %sub3A_330 = arith.subi %div3A_309, %sub3A_329 : i32
      %select_n3A_331 = arith.select %and3A_328, %sub3A_330, %div3A_309 : i32
      %mul3A_332 = arith.constant 8 : i32
      %mul3A_333 = arith.muli %select_n3A_331, %mul3A_332 : i32
      %jit3A_334 = arith.constant 2 : i32
      %eq3A_335 = arith.constant 0 : i32
      %eq3A_336 = arith.cmpi eq, %jit3A_334, %eq3A_335 : i32
      %jit3A_337 = arith.constant 1 : i32
      %select_n3A_338 = arith.select %eq3A_336, %jit3A_337, %jit3A_334 : i32
      %rem3A_339 = arith.remsi %add3A_307, %select_n3A_338 : i32
      %ne3A_340 = arith.constant 0 : i32
      %ne3A_341 = arith.cmpi ne, %rem3A_339, %ne3A_340 : i32
      %lt3A_342 = arith.constant 0 : i32
      %lt3A_343 = arith.cmpi slt, %rem3A_339, %lt3A_342 : i32
      %lt3A_344 = arith.constant 0 : i32
      %lt3A_345 = arith.cmpi slt, %select_n3A_338, %lt3A_344 : i32
      %ne3A_346 = arith.xori %lt3A_343, %lt3A_345 : i1
      %and3A_347 = arith.andi %ne3A_346, %ne3A_341 : i1
      %add3A_348 = arith.addi %rem3A_339, %select_n3A_338 : i32
      %select_n3A_349 = arith.select %and3A_347, %add3A_348, %rem3A_339 : i32
      %mul3A_350 = arith.constant 1024 : i32
      %mul3A_351 = arith.muli %select_n3A_349, %mul3A_350 : i32
      %dma_wait3A_352 = tpu.memref_slice %arg2[%mul3A_333, %mul3A_351] : memref<4096x2048xi32, #tpu.memory_space<hbm>> -> memref<8x1024xi32, #tpu.memory_space<hbm>>
      %dma_wait3A_353 = tpu.memref_slice %arg2[%mul3A_333, %mul3A_351] : memref<4096x2048xi32, #tpu.memory_space<hbm>> -> memref<8x1024xi32, #tpu.memory_space<hbm>>
      tpu.wait_dma2 semaphore(%arg11 : memref<!tpu.dma_semaphore, #tpu.memory_space<semaphore_mem>>) src(%dma_wait3A_353 : memref<8x1024xi32, #tpu.memory_space<hbm>>) dst(%arg6 : memref<8x1024xi32, #tpu.memory_space<vmem>>)
      %ge3A_354 = arith.constant 2 : i32
      %ge3A_355 = arith.cmpi sge, %add3A_306, %ge3A_354 : i32
      %convert_element_type3A_356 = arith.extui %ge3A_355 : i1 to i32
      %cond3A_357 = arith.constant 0 : i32
      %cond3A_358 = arith.cmpi ne, %convert_element_type3A_356, %cond3A_357 : i32
      scf.if %cond3A_358 {
        %sub3A_418 = arith.constant 2 : i32
        %sub3A_419 = arith.subi %add3A_306, %sub3A_418 : i32
        %add3A_420 = arith.addi %mul3A_2, %sub3A_419 : i32
        %jit3A_421 = arith.constant 2 : i32
        %div3A_422 = arith.divsi %add3A_420, %jit3A_421 : i32
        %sign3A_423 = arith.constant 0 : i32
        %sign3A_424 = arith.cmpi sgt, %add3A_420, %sign3A_423 : i32
        %sign3A_425 = arith.extui %sign3A_424 : i1 to i32
        %sign3A_426 = arith.constant 0 : i32
        %sign3A_427 = arith.cmpi slt, %add3A_420, %sign3A_426 : i32
        %sign3A_428 = arith.extui %sign3A_427 : i1 to i32
        %sign3A_429 = arith.subi %sign3A_425, %sign3A_428 : i32
        %sign3A_430 = arith.constant 0 : i32
        %sign3A_431 = arith.cmpi sgt, %jit3A_421, %sign3A_430 : i32
        %sign3A_432 = arith.extui %sign3A_431 : i1 to i32
        %sign3A_433 = arith.constant 0 : i32
        %sign3A_434 = arith.cmpi slt, %jit3A_421, %sign3A_433 : i32
        %sign3A_435 = arith.extui %sign3A_434 : i1 to i32
        %sign3A_436 = arith.subi %sign3A_432, %sign3A_435 : i32
        %ne3A_437 = arith.cmpi ne, %sign3A_429, %sign3A_436 : i32
        %rem3A_438 = arith.remsi %add3A_420, %jit3A_421 : i32
        %ne3A_439 = arith.constant 0 : i32
        %ne3A_440 = arith.cmpi ne, %rem3A_438, %ne3A_439 : i32
        %and3A_441 = arith.andi %ne3A_437, %ne3A_440 : i1
        %sub3A_442 = arith.constant 1 : i32
        %sub3A_443 = arith.subi %div3A_422, %sub3A_442 : i32
        %select_n3A_444 = arith.select %and3A_441, %sub3A_443, %div3A_422 : i32
        %mul3A_445 = arith.constant 8 : i32
        %mul3A_446 = arith.muli %select_n3A_444, %mul3A_445 : i32
        %jit3A_447 = arith.constant 2 : i32
        %eq3A_448 = arith.constant 0 : i32
        %eq3A_449 = arith.cmpi eq, %jit3A_447, %eq3A_448 : i32
        %jit3A_450 = arith.constant 1 : i32
        %select_n3A_451 = arith.select %eq3A_449, %jit3A_450, %jit3A_447 : i32
        %rem3A_452 = arith.remsi %add3A_420, %select_n3A_451 : i32
        %ne3A_453 = arith.constant 0 : i32
        %ne3A_454 = arith.cmpi ne, %rem3A_452, %ne3A_453 : i32
        %lt3A_455 = arith.constant 0 : i32
        %lt3A_456 = arith.cmpi slt, %rem3A_452, %lt3A_455 : i32
        %lt3A_457 = arith.constant 0 : i32
        %lt3A_458 = arith.cmpi slt, %select_n3A_451, %lt3A_457 : i32
        %ne3A_459 = arith.xori %lt3A_456, %lt3A_458 : i1
        %and3A_460 = arith.andi %ne3A_459, %ne3A_454 : i1
        %add3A_461 = arith.addi %rem3A_452, %select_n3A_451 : i32
        %select_n3A_462 = arith.select %and3A_460, %add3A_461, %rem3A_452 : i32
        %mul3A_463 = arith.constant 1024 : i32
        %mul3A_464 = arith.muli %select_n3A_462, %mul3A_463 : i32
        %dma_wait3A_465 = arith.constant 0 : i32
        %dma_wait3A_466 = tpu.memref_slice %arg4[%dma_wait3A_465, %mul3A_446, %mul3A_464] : memref<5x4096x2048xf32, #tpu.memory_space<hbm>> -> memref<5x8x1024xf32, #tpu.memory_space<hbm>>
        %dma_wait3A_467 = arith.constant 0 : i32
        %dma_wait3A_468 = tpu.memref_slice %arg4[%dma_wait3A_467, %mul3A_446, %mul3A_464] : memref<5x4096x2048xf32, #tpu.memory_space<hbm>> -> memref<5x8x1024xf32, #tpu.memory_space<hbm>>
        tpu.wait_dma2 semaphore(%arg13 : memref<!tpu.dma_semaphore, #tpu.memory_space<semaphore_mem>>) src(%arg8 : memref<5x8x1024xf32, #tpu.memory_space<vmem>>) dst(%dma_wait3A_468 : memref<5x8x1024xf32, #tpu.memory_space<hbm>>)
      } else {
      }
      %parallel_loop3A_359 = arith.constant 0 : i32
      %parallel_loop3A_360 = arith.constant 8192 : i32
      %parallel_loop3A_361 = arith.constant 16 : i32
      scf.for %parallel_loop3A_418 = %parallel_loop3A_359 to %parallel_loop3A_360 step %parallel_loop3A_361  : i32 {
        %parallel_loop3A_419 = arith.constant 10 : i32
        %parallel_loop3A_420 = arith.shrsi %parallel_loop3A_418, %parallel_loop3A_419 : i32
        %parallel_loop3A_421 = arith.constant 1023 : i32
        %parallel_loop3A_422 = arith.andi %parallel_loop3A_418, %parallel_loop3A_421 : i32
        %parallel_loop3A_423 = arith.index_cast %parallel_loop3A_420 : i32 to index
        %parallel_loop3A_424 = arith.index_cast %parallel_loop3A_422 : i32 to index
        %parallel_loop3A_425 = tpu.vector_load %arg6[%parallel_loop3A_423, %parallel_loop3A_424] {strides = array<i32>} : memref<8x1024xi32, #tpu.memory_space<vmem>>, vector<16xi32>,
        %parallel_loop3A_426 = arith.constant 0 : i32
        %parallel_loop3A_427 = vector.broadcast %parallel_loop3A_426 : i32 to vector<16xi32>
        %parallel_loop3A_428 = arith.addi %parallel_loop3A_425, %parallel_loop3A_427 : vector<16xi32>
        %parallel_loop3A_429 = tpu.vector_load_idx %arg9[%parallel_loop3A_428] : memref<64xf32, #tpu.memory_space<vmem>>[vector<16xi32>], vector<16xf32>,
        %parallel_loop3A_430 = arith.constant 0 : i32
        %parallel_loop3A_431 = arith.index_cast %parallel_loop3A_430 : i32 to index
        %parallel_loop3A_432 = arith.index_cast %parallel_loop3A_420 : i32 to index
        %parallel_loop3A_433 = arith.index_cast %parallel_loop3A_422 : i32 to index
        %parallel_loop3A_434 = tpu.vector_load %arg8[%parallel_loop3A_431, %parallel_loop3A_432, %parallel_loop3A_433] {strides = array<i32>} : memref<5x8x1024xf32, #tpu.memory_space<vmem>>, vector<16xf32>,
        tpu.vector_store %arg8[%parallel_loop3A_431, %parallel_loop3A_432, %parallel_loop3A_433], %parallel_loop3A_429 {strides = array<i32>} : memref<5x8x1024xf32, #tpu.memory_space<vmem>>, vector<16xf32>,
        %parallel_loop3A_435 = arith.constant 8 : i32
        %parallel_loop3A_436 = vector.broadcast %parallel_loop3A_435 : i32 to vector<16xi32>
        %parallel_loop3A_437 = arith.addi %parallel_loop3A_425, %parallel_loop3A_436 : vector<16xi32>
        %parallel_loop3A_438 = tpu.vector_load_idx %arg9[%parallel_loop3A_437] : memref<64xf32, #tpu.memory_space<vmem>>[vector<16xi32>], vector<16xf32>,
        %parallel_loop3A_439 = arith.constant 1 : i32
        %parallel_loop3A_440 = arith.index_cast %parallel_loop3A_439 : i32 to index
        %parallel_loop3A_441 = arith.index_cast %parallel_loop3A_420 : i32 to index
        %parallel_loop3A_442 = arith.index_cast %parallel_loop3A_422 : i32 to index
        %parallel_loop3A_443 = tpu.vector_load %arg8[%parallel_loop3A_440, %parallel_loop3A_441, %parallel_loop3A_442] {strides = array<i32>} : memref<5x8x1024xf32, #tpu.memory_space<vmem>>, vector<16xf32>,
        tpu.vector_store %arg8[%parallel_loop3A_440, %parallel_loop3A_441, %parallel_loop3A_442], %parallel_loop3A_438 {strides = array<i32>} : memref<5x8x1024xf32, #tpu.memory_space<vmem>>, vector<16xf32>,
        %parallel_loop3A_444 = arith.constant 16 : i32
        %parallel_loop3A_445 = vector.broadcast %parallel_loop3A_444 : i32 to vector<16xi32>
        %parallel_loop3A_446 = arith.addi %parallel_loop3A_425, %parallel_loop3A_445 : vector<16xi32>
        %parallel_loop3A_447 = tpu.vector_load_idx %arg9[%parallel_loop3A_446] : memref<64xf32, #tpu.memory_space<vmem>>[vector<16xi32>], vector<16xf32>,
        %parallel_loop3A_448 = arith.constant 2 : i32
        %parallel_loop3A_449 = arith.index_cast %parallel_loop3A_448 : i32 to index
        %parallel_loop3A_450 = arith.index_cast %parallel_loop3A_420 : i32 to index
        %parallel_loop3A_451 = arith.index_cast %parallel_loop3A_422 : i32 to index
        %parallel_loop3A_452 = tpu.vector_load %arg8[%parallel_loop3A_449, %parallel_loop3A_450, %parallel_loop3A_451] {strides = array<i32>} : memref<5x8x1024xf32, #tpu.memory_space<vmem>>, vector<16xf32>,
        tpu.vector_store %arg8[%parallel_loop3A_449, %parallel_loop3A_450, %parallel_loop3A_451], %parallel_loop3A_447 {strides = array<i32>} : memref<5x8x1024xf32, #tpu.memory_space<vmem>>, vector<16xf32>,
        %parallel_loop3A_453 = arith.constant 24 : i32
        %parallel_loop3A_454 = vector.broadcast %parallel_loop3A_453 : i32 to vector<16xi32>
        %parallel_loop3A_455 = arith.addi %parallel_loop3A_425, %parallel_loop3A_454 : vector<16xi32>
        %parallel_loop3A_456 = tpu.vector_load_idx %arg9[%parallel_loop3A_455] : memref<64xf32, #tpu.memory_space<vmem>>[vector<16xi32>], vector<16xf32>,
        %parallel_loop3A_457 = arith.constant 3 : i32
        %parallel_loop3A_458 = arith.index_cast %parallel_loop3A_457 : i32 to index
        %parallel_loop3A_459 = arith.index_cast %parallel_loop3A_420 : i32 to index
        %parallel_loop3A_460 = arith.index_cast %parallel_loop3A_422 : i32 to index
        %parallel_loop3A_461 = tpu.vector_load %arg8[%parallel_loop3A_458, %parallel_loop3A_459, %parallel_loop3A_460] {strides = array<i32>} : memref<5x8x1024xf32, #tpu.memory_space<vmem>>, vector<16xf32>,
        tpu.vector_store %arg8[%parallel_loop3A_458, %parallel_loop3A_459, %parallel_loop3A_460], %parallel_loop3A_456 {strides = array<i32>} : memref<5x8x1024xf32, #tpu.memory_space<vmem>>, vector<16xf32>,
        %parallel_loop3A_462 = arith.constant 32 : i32
        %parallel_loop3A_463 = vector.broadcast %parallel_loop3A_462 : i32 to vector<16xi32>
        %parallel_loop3A_464 = arith.addi %parallel_loop3A_425, %parallel_loop3A_463 : vector<16xi32>
        %parallel_loop3A_465 = tpu.vector_load_idx %arg9[%parallel_loop3A_464] : memref<64xf32, #tpu.memory_space<vmem>>[vector<16xi32>], vector<16xf32>,
        %parallel_loop3A_466 = arith.constant 4 : i32
        %parallel_loop3A_467 = arith.index_cast %parallel_loop3A_466 : i32 to index
        %parallel_loop3A_468 = arith.index_cast %parallel_loop3A_420 : i32 to index
        %parallel_loop3A_469 = arith.index_cast %parallel_loop3A_422 : i32 to index
        %parallel_loop3A_470 = tpu.vector_load %arg8[%parallel_loop3A_467, %parallel_loop3A_468, %parallel_loop3A_469] {strides = array<i32>} : memref<5x8x1024xf32, #tpu.memory_space<vmem>>, vector<16xf32>,
        tpu.vector_store %arg8[%parallel_loop3A_467, %parallel_loop3A_468, %parallel_loop3A_469], %parallel_loop3A_465 {strides = array<i32>} : memref<5x8x1024xf32, #tpu.memory_space<vmem>>, vector<16xf32>,
      } {sc.loop_unroll_factor = 4 : i64, sc.parallel_access}
      %add3A_362 = arith.addi %mul3A_2, %add3A_306 : i32
      %jit3A_363 = arith.constant 2 : i32
      %div3A_364 = arith.divsi %add3A_362, %jit3A_363 : i32
      %sign3A_365 = arith.constant 0 : i32
      %sign3A_366 = arith.cmpi sgt, %add3A_362, %sign3A_365 : i32
      %sign3A_367 = arith.extui %sign3A_366 : i1 to i32
      %sign3A_368 = arith.constant 0 : i32
      %sign3A_369 = arith.cmpi slt, %add3A_362, %sign3A_368 : i32
      %sign3A_370 = arith.extui %sign3A_369 : i1 to i32
      %sign3A_371 = arith.subi %sign3A_367, %sign3A_370 : i32
      %sign3A_372 = arith.constant 0 : i32
      %sign3A_373 = arith.cmpi sgt, %jit3A_363, %sign3A_372 : i32
      %sign3A_374 = arith.extui %sign3A_373 : i1 to i32
      %sign3A_375 = arith.constant 0 : i32
      %sign3A_376 = arith.cmpi slt, %jit3A_363, %sign3A_375 : i32
      %sign3A_377 = arith.extui %sign3A_376 : i1 to i32
      %sign3A_378 = arith.subi %sign3A_374, %sign3A_377 : i32
      %ne3A_379 = arith.cmpi ne, %sign3A_371, %sign3A_378 : i32
      %rem3A_380 = arith.remsi %add3A_362, %jit3A_363 : i32
      %ne3A_381 = arith.constant 0 : i32
      %ne3A_382 = arith.cmpi ne, %rem3A_380, %ne3A_381 : i32
      %and3A_383 = arith.andi %ne3A_379, %ne3A_382 : i1
      %sub3A_384 = arith.constant 1 : i32
      %sub3A_385 = arith.subi %div3A_364, %sub3A_384 : i32
      %select_n3A_386 = arith.select %and3A_383, %sub3A_385, %div3A_364 : i32
      %mul3A_387 = arith.constant 8 : i32
      %mul3A_388 = arith.muli %select_n3A_386, %mul3A_387 : i32
      %jit3A_389 = arith.constant 2 : i32
      %eq3A_390 = arith.constant 0 : i32
      %eq3A_391 = arith.cmpi eq, %jit3A_389, %eq3A_390 : i32
      %jit3A_392 = arith.constant 1 : i32
      %select_n3A_393 = arith.select %eq3A_391, %jit3A_392, %jit3A_389 : i32
      %rem3A_394 = arith.remsi %add3A_362, %select_n3A_393 : i32
      %ne3A_395 = arith.constant 0 : i32
      %ne3A_396 = arith.cmpi ne, %rem3A_394, %ne3A_395 : i32
      %lt3A_397 = arith.constant 0 : i32
      %lt3A_398 = arith.cmpi slt, %rem3A_394, %lt3A_397 : i32
      %lt3A_399 = arith.constant 0 : i32
      %lt3A_400 = arith.cmpi slt, %select_n3A_393, %lt3A_399 : i32
      %ne3A_401 = arith.xori %lt3A_398, %lt3A_400 : i1
      %and3A_402 = arith.andi %ne3A_401, %ne3A_396 : i1
      %add3A_403 = arith.addi %rem3A_394, %select_n3A_393 : i32
      %select_n3A_404 = arith.select %and3A_402, %add3A_403, %rem3A_394 : i32
      %mul3A_405 = arith.constant 1024 : i32
      %mul3A_406 = arith.muli %select_n3A_404, %mul3A_405 : i32
      %dma_start3A_407 = arith.constant 0 : i32
      %dma_start3A_408 = tpu.memref_slice %arg4[%dma_start3A_407, %mul3A_388, %mul3A_406] : memref<5x4096x2048xf32, #tpu.memory_space<hbm>> -> memref<5x8x1024xf32, #tpu.memory_space<hbm>>
      %dma_start3A_409 = arith.constant 0 : i32
      %dma_start3A_410 = tpu.memref_slice %arg4[%dma_start3A_409, %mul3A_388, %mul3A_406] : memref<5x4096x2048xf32, #tpu.memory_space<hbm>> -> memref<5x8x1024xf32, #tpu.memory_space<hbm>>
      tpu.enqueue_dma source(%arg8 : memref<5x8x1024xf32, #tpu.memory_space<vmem>>) target(%dma_start3A_410 : memref<5x8x1024xf32, #tpu.memory_space<hbm>>) target_semaphore(%arg13 : memref<!tpu.dma_semaphore, #tpu.memory_space<semaphore_mem>>)
      %add3A_411 = arith.constant 2 : i32
      %add3A_412 = arith.addi %add3A_306, %add3A_411 : i32
      %lt3A_413 = arith.constant 32 : i32
      %lt3A_414 = arith.cmpi slt, %add3A_412, %lt3A_413 : i32
      %convert_element_type3A_415 = arith.extui %lt3A_414 : i1 to i32
      %cond3A_416 = arith.constant 0 : i32
      %cond3A_417 = arith.cmpi ne, %convert_element_type3A_415, %cond3A_416 : i32
      scf.if %cond3A_417 {
        %add3A_418 = arith.constant 2 : i32
        %add3A_419 = arith.addi %add3A_306, %add3A_418 : i32
        %add3A_420 = arith.addi %mul3A_2, %add3A_419 : i32
        %jit3A_421 = arith.constant 2 : i32
        %div3A_422 = arith.divsi %add3A_420, %jit3A_421 : i32
        %sign3A_423 = arith.constant 0 : i32
        %sign3A_424 = arith.cmpi sgt, %add3A_420, %sign3A_423 : i32
        %sign3A_425 = arith.extui %sign3A_424 : i1 to i32
        %sign3A_426 = arith.constant 0 : i32
        %sign3A_427 = arith.cmpi slt, %add3A_420, %sign3A_426 : i32
        %sign3A_428 = arith.extui %sign3A_427 : i1 to i32
        %sign3A_429 = arith.subi %sign3A_425, %sign3A_428 : i32
        %sign3A_430 = arith.constant 0 : i32
        %sign3A_431 = arith.cmpi sgt, %jit3A_421, %sign3A_430 : i32
        %sign3A_432 = arith.extui %sign3A_431 : i1 to i32
        %sign3A_433 = arith.constant 0 : i32
        %sign3A_434 = arith.cmpi slt, %jit3A_421, %sign3A_433 : i32
        %sign3A_435 = arith.extui %sign3A_434 : i1 to i32
        %sign3A_436 = arith.subi %sign3A_432, %sign3A_435 : i32
        %ne3A_437 = arith.cmpi ne, %sign3A_429, %sign3A_436 : i32
        %rem3A_438 = arith.remsi %add3A_420, %jit3A_421 : i32
        %ne3A_439 = arith.constant 0 : i32
        %ne3A_440 = arith.cmpi ne, %rem3A_438, %ne3A_439 : i32
        %and3A_441 = arith.andi %ne3A_437, %ne3A_440 : i1
        %sub3A_442 = arith.constant 1 : i32
        %sub3A_443 = arith.subi %div3A_422, %sub3A_442 : i32
        %select_n3A_444 = arith.select %and3A_441, %sub3A_443, %div3A_422 : i32
        %mul3A_445 = arith.constant 8 : i32
        %mul3A_446 = arith.muli %select_n3A_444, %mul3A_445 : i32
        %jit3A_447 = arith.constant 2 : i32
        %eq3A_448 = arith.constant 0 : i32
        %eq3A_449 = arith.cmpi eq, %jit3A_447, %eq3A_448 : i32
        %jit3A_450 = arith.constant 1 : i32
        %select_n3A_451 = arith.select %eq3A_449, %jit3A_450, %jit3A_447 : i32
        %rem3A_452 = arith.remsi %add3A_420, %select_n3A_451 : i32
        %ne3A_453 = arith.constant 0 : i32
        %ne3A_454 = arith.cmpi ne, %rem3A_452, %ne3A_453 : i32
        %lt3A_455 = arith.constant 0 : i32
        %lt3A_456 = arith.cmpi slt, %rem3A_452, %lt3A_455 : i32
        %lt3A_457 = arith.constant 0 : i32
        %lt3A_458 = arith.cmpi slt, %select_n3A_451, %lt3A_457 : i32
        %ne3A_459 = arith.xori %lt3A_456, %lt3A_458 : i1
        %and3A_460 = arith.andi %ne3A_459, %ne3A_454 : i1
        %add3A_461 = arith.addi %rem3A_452, %select_n3A_451 : i32
        %select_n3A_462 = arith.select %and3A_460, %add3A_461, %rem3A_452 : i32
        %mul3A_463 = arith.constant 1024 : i32
        %mul3A_464 = arith.muli %select_n3A_462, %mul3A_463 : i32
        %dma_start3A_465 = tpu.memref_slice %arg2[%mul3A_446, %mul3A_464] : memref<4096x2048xi32, #tpu.memory_space<hbm>> -> memref<8x1024xi32, #tpu.memory_space<hbm>>
        %dma_start3A_466 = tpu.memref_slice %arg2[%mul3A_446, %mul3A_464] : memref<4096x2048xi32, #tpu.memory_space<hbm>> -> memref<8x1024xi32, #tpu.memory_space<hbm>>
        tpu.enqueue_dma source(%dma_start3A_466 : memref<8x1024xi32, #tpu.memory_space<hbm>>) target(%arg6 : memref<8x1024xi32, #tpu.memory_space<vmem>>) target_semaphore(%arg11 : memref<!tpu.dma_semaphore, #tpu.memory_space<semaphore_mem>>)
      } else {
      }
    }
    %scan3A_91 = arith.constant 16 : i32
    %add3A_92 = arith.constant 30 : i32
    %add3A_93 = arith.addi %mul3A_2, %add3A_92 : i32
    %jit3A_94 = arith.constant 2 : i32
    %div3A_95 = arith.divsi %add3A_93, %jit3A_94 : i32
    %sign3A_96 = arith.constant 0 : i32
    %sign3A_97 = arith.cmpi sgt, %add3A_93, %sign3A_96 : i32
    %sign3A_98 = arith.extui %sign3A_97 : i1 to i32
    %sign3A_99 = arith.constant 0 : i32
    %sign3A_100 = arith.cmpi slt, %add3A_93, %sign3A_99 : i32
    %sign3A_101 = arith.extui %sign3A_100 : i1 to i32
    %sign3A_102 = arith.subi %sign3A_98, %sign3A_101 : i32
    %sign3A_103 = arith.constant 0 : i32
    %sign3A_104 = arith.cmpi sgt, %jit3A_94, %sign3A_103 : i32
    %sign3A_105 = arith.extui %sign3A_104 : i1 to i32
    %sign3A_106 = arith.constant 0 : i32
    %sign3A_107 = arith.cmpi slt, %jit3A_94, %sign3A_106 : i32
    %sign3A_108 = arith.extui %sign3A_107 : i1 to i32
    %sign3A_109 = arith.subi %sign3A_105, %sign3A_108 : i32
    %ne3A_110 = arith.cmpi ne, %sign3A_102, %sign3A_109 : i32
    %rem3A_111 = arith.remsi %add3A_93, %jit3A_94 : i32
    %ne3A_112 = arith.constant 0 : i32
    %ne3A_113 = arith.cmpi ne, %rem3A_111, %ne3A_112 : i32
    %and3A_114 = arith.andi %ne3A_110, %ne3A_113 : i1
    %sub3A_115 = arith.constant 1 : i32
    %sub3A_116 = arith.subi %div3A_95, %sub3A_115 : i32
    %select_n3A_117 = arith.select %and3A_114, %sub3A_116, %div3A_95 : i32
    %mul3A_118 = arith.constant 8 : i32
    %mul3A_119 = arith.muli %select_n3A_117, %mul3A_118 : i32
    %jit3A_120 = arith.constant 2 : i32
    %eq3A_121 = arith.constant 0 : i32
    %eq3A_122 = arith.cmpi eq, %jit3A_120, %eq3A_121 : i32
    %jit3A_123 = arith.constant 1 : i32
    %select_n3A_124 = arith.select %eq3A_122, %jit3A_123, %jit3A_120 : i32
    %rem3A_125 = arith.remsi %add3A_93, %select_n3A_124 : i32
    %ne3A_126 = arith.constant 0 : i32
    %ne3A_127 = arith.cmpi ne, %rem3A_125, %ne3A_126 : i32
    %lt3A_128 = arith.constant 0 : i32
    %lt3A_129 = arith.cmpi slt, %rem3A_125, %lt3A_128 : i32
    %lt3A_130 = arith.constant 0 : i32
    %lt3A_131 = arith.cmpi slt, %select_n3A_124, %lt3A_130 : i32
    %ne3A_132 = arith.xori %lt3A_129, %lt3A_131 : i1
    %and3A_133 = arith.andi %ne3A_132, %ne3A_127 : i1
    %add3A_134 = arith.addi %rem3A_125, %select_n3A_124 : i32
    %select_n3A_135 = arith.select %and3A_133, %add3A_134, %rem3A_125 : i32
    %mul3A_136 = arith.constant 1024 : i32
    %mul3A_137 = arith.muli %select_n3A_135, %mul3A_136 : i32
    %dma_wait3A = arith.constant 0 : i32
    %dma_wait3A_138 = tpu.memref_slice %arg4[%dma_wait3A, %mul3A_119, %mul3A_137] : memref<5x4096x2048xf32, #tpu.memory_space<hbm>> -> memref<5x8x1024xf32, #tpu.memory_space<hbm>>
    %dma_wait3A_139 = arith.constant 0 : i32
    %dma_wait3A_140 = tpu.memref_slice %arg4[%dma_wait3A_139, %mul3A_119, %mul3A_137] : memref<5x4096x2048xf32, #tpu.memory_space<hbm>> -> memref<5x8x1024xf32, #tpu.memory_space<hbm>>
    tpu.wait_dma2 semaphore(%arg12 : memref<!tpu.dma_semaphore, #tpu.memory_space<semaphore_mem>>) src(%arg7 : memref<5x8x1024xf32, #tpu.memory_space<vmem>>) dst(%dma_wait3A_140 : memref<5x8x1024xf32, #tpu.memory_space<hbm>>)
    %add3A_141 = arith.constant 31 : i32
    %add3A_142 = arith.addi %mul3A_2, %add3A_141 : i32
    %jit3A_143 = arith.constant 2 : i32
    %div3A_144 = arith.divsi %add3A_142, %jit3A_143 : i32
    %sign3A_145 = arith.constant 0 : i32
    %sign3A_146 = arith.cmpi sgt, %add3A_142, %sign3A_145 : i32
    %sign3A_147 = arith.extui %sign3A_146 : i1 to i32
    %sign3A_148 = arith.constant 0 : i32
    %sign3A_149 = arith.cmpi slt, %add3A_142, %sign3A_148 : i32
    %sign3A_150 = arith.extui %sign3A_149 : i1 to i32
    %sign3A_151 = arith.subi %sign3A_147, %sign3A_150 : i32
    %sign3A_152 = arith.constant 0 : i32
    %sign3A_153 = arith.cmpi sgt, %jit3A_143, %sign3A_152 : i32
    %sign3A_154 = arith.extui %sign3A_153 : i1 to i32
    %sign3A_155 = arith.constant 0 : i32
    %sign3A_156 = arith.cmpi slt, %jit3A_143, %sign3A_155 : i32
    %sign3A_157 = arith.extui %sign3A_156 : i1 to i32
    %sign3A_158 = arith.subi %sign3A_154, %sign3A_157 : i32
    %ne3A_159 = arith.cmpi ne, %sign3A_151, %sign3A_158 : i32
    %rem3A_160 = arith.remsi %add3A_142, %jit3A_143 : i32
    %ne3A_161 = arith.constant 0 : i32
    %ne3A_162 = arith.cmpi ne, %rem3A_160, %ne3A_161 : i32
    %and3A_163 = arith.andi %ne3A_159, %ne3A_162 : i1
    %sub3A_164 = arith.constant 1 : i32
    %sub3A_165 = arith.subi %div3A_144, %sub3A_164 : i32
    %select_n3A_166 = arith.select %and3A_163, %sub3A_165, %div3A_144 : i32
    %mul3A_167 = arith.constant 8 : i32
    %mul3A_168 = arith.muli %select_n3A_166, %mul3A_167 : i32
    %jit3A_169 = arith.constant 2 : i32
    %eq3A_170 = arith.constant 0 : i32
    %eq3A_171 = arith.cmpi eq, %jit3A_169, %eq3A_170 : i32
    %jit3A_172 = arith.constant 1 : i32
    %select_n3A_173 = arith.select %eq3A_171, %jit3A_172, %jit3A_169 : i32
    %rem3A_174 = arith.remsi %add3A_142, %select_n3A_173 : i32
    %ne3A_175 = arith.constant 0 : i32
    %ne3A_176 = arith.cmpi ne, %rem3A_174, %ne3A_175 : i32
    %lt3A_177 = arith.constant 0 : i32
    %lt3A_178 = arith.cmpi slt, %rem3A_174, %lt3A_177 : i32
    %lt3A_179 = arith.constant 0 : i32
    %lt3A_180 = arith.cmpi slt, %select_n3A_173, %lt3A_179 : i32
    %ne3A_181 = arith.xori %lt3A_178, %lt3A_180 : i1
    %and3A_182 = arith.andi %ne3A_181, %ne3A_176 : i1
    %add3A_183 = arith.addi %rem3A_174, %select_n3A_173 : i32
    %select_n3A_184 = arith.select %and3A_182, %add3A_183, %rem3A_174 : i32
    %mul3A_185 = arith.constant 1024 : i32
    %mul3A_186 = arith.muli %select_n3A_184, %mul3A_185 : i32
    %dma_wait3A_187 = arith.constant 0 : i32
    %dma_wait3A_188 = tpu.memref_slice %arg4[%dma_wait3A_187, %mul3A_168, %mul3A_186] : memref<5x4096x2048xf32, #tpu.memory_space<hbm>> -> memref<5x8x1024xf32, #tpu.memory_space<hbm>>
    %dma_wait3A_189 = arith.constant 0 : i32
    %dma_wait3A_190 = tpu.memref_slice %arg4[%dma_wait3A_189, %mul3A_168, %mul3A_186] : memref<5x4096x2048xf32, #tpu.memory_space<hbm>> -> memref<5x8x1024xf32, #tpu.memory_space<hbm>>
    tpu.wait_dma2 semaphore(%arg13 : memref<!tpu.dma_semaphore, #tpu.memory_space<semaphore_mem>>) src(%arg8 : memref<5x8x1024xf32, #tpu.memory_space<vmem>>) dst(%dma_wait3A_190 : memref<5x8x1024xf32, #tpu.memory_space<hbm>>)
    return
  }
}

</mosaic_0001>

<sc_bundles>
// kernel: _encode.3.cloned.1.call-start
scs
__scs_entry_jumppad:
0x0: {  	(pc) =	sbr.rel $0x88, $3  }
0x1: {  	(tag) =	ssettag $0x0;
	lr =	simm.s32 $0x1  }
0x2: {  	[smem:$0x3F9F] =	sst lr;
	_ =	strace $0xD0000000  }
0x3: {  	_ = 	snop  }
0x4: {  	_ = 	snop  }
0x5: {  	_ = 	snop  }
0x6: {  	_ = 	snop  }
0x7: {  	_ = 	snop  }
__scs_overlays_trampoline_lowered:
0x8: {  	[smem:$0x3FAE] =	sst s0  }
0x9: {  	[smem:$0x3FAF] =	sst s1  }
0xa: {  	[smem:$0x3FB0] =	sst s2  }
0xb: {  	[smem:$0x3FB1] =	sst s3  }
0xc: {  	[smem:$0x3FB2] =	sst s4  }
0xd: {  	[smem:$0x3FB3] =	sst s5  }
0xe: {  	[smem:$0x3FB4] =	sst s6  }
0xf: {  	[smem:$0x3FB5] =	sst s7  }
0x10: {  	[smem:$0x3FB6] =	sst s8  }
0x11: {  	[smem:$0x3FB7] =	sst s9;
	s0 =	simm.s32 @!p0 $0x0  }
0x12: {  	s1 =	sld [smem:$0x3F9D];
	s0 =	simm.s32 @p0 $0x1  }
0x13: {  	[smem:$0x3FB8] =	sst s0;
	s0 =	simm.s32 @!p1 $0x0  }
0x14: {  	s2 =	sld [smem:$0x3F9C];
	s0 =	simm.s32 @p1 $0x1  }
0x15: {  	[smem:$0x3FB9] =	sst s0;
	s0 =	simm.s32 @!p2 $0x0  }
0x16: {  	s3 =	sld [smem:$0x3FDB];
	s0 =	simm.s32 @p2 $0x1  }
0x17: {  	s4 =	simm.s32 $0x1BF5;
	[smem:$0x3FBB] =	sst s0  }
0x18: {  	s0 =	sld [smem:$0x3F9E];
	_ =	swait.ge [sflag:s4], $0x0  }
0x19: {  	s7 =	sld [smem:$0x3F9F]  }
0x1a: {  	s8 =	sadd.s32 $0xFFFFE003, lr  }
0x1b: {  	s9 =	sadd.s32 $0xFFFFFEF7, lr;
	s5 =	simm.s32 $0xFFFFFFFF;
	p2 =	slt.u32 s8, $0xFFFFF086  }
0x1c: {  	p1 =	slt.u32 s9, $0xF7A;
	s5 =	simm.s32 @!p2 $0x0  }
0x1d: {  	s5 =	simm.s32 @p1 $0x1;
	p0 =	seq.s32 s7, s2  }
0x1e: {  	s7 =	smul.u32 @!p0 $0xF7A, s2;
	p2 =	seq.s32 @!p0 s5, $0x0  }
0x1f: {  	s9 =	smul.u32 $0xF7A, s1;
	s8 =	simm.s32 @!p0 $0x1BF5;
	p2 =	por !p2, p0  }
0x20: {  	[sflag:s8] =	ssyncset.s32 @!p0 $0xFFFFF086;
	s6 =	sadd.s32 @!p0 s3, s7;
	s7 =	simm.s32 @!p0 $0x108  }
0x21: {  	s3 =	sadd.s32 s3, s9;
	s6 =	sadd.s32 @!p0 $0x88, s6;
	s7 =	simm.s32 @p2 $0x1082  }
0x22: {  	[simem:s7], [sflag:s8] =	dma.local @!p0 [hbm:s6], $0xF7A  }
0x23: {  	s9 =	sor.u32 $0xD0000000, s2;
	s6 =	simm.s32 $0x108;
	_ =	swait.ge @!p0 [sflag:s8], $0x0  }
0x24: {  	s3 =	sadd.s32 $0x88, s3;
	s6 =	simm.s32 @!p1 $0x1082;
	[sflag:s4] =	ssyncset.s32 $0xFFFFF086  }
0x25: {  	[simem:s6], [sflag:s4] =	dma.local [hbm:s3], $0xF7A  }
0x26: {  	[smem:$0x3F9F] =	sst s1;
	(tag) =	ssettag s2;
	_ =	strace s9  }
0x27: {  	s1 =	sld [smem:$0x3FAF]  }
0x28: {  	s2 =	sld [smem:$0x3FB0]  }
0x29: {  	s4 =	sld [smem:$0x3FB2]  }
0x2a: {  	p0 =	seq.s32 s5, $0x0;
	s5 =	sld [smem:$0x3FB3]  }
0x2b: {  	s6 =	sld [smem:$0x3FB4]  }
0x2c: {  	s7 =	sld [smem:$0x3FB5]  }
0x2d: {  	s3 =	simm.s32 $0x108;
	s8 =	sld [smem:$0x3FB6]  }
0x2e: {  	s3 =	simm.s32 @!p0 $0x1082;
	s9 =	sld [smem:$0x3FB7]  }
0x2f: {  	lr =	sadd.s32 s0, s3;
	s0 =	sld [smem:$0x3FAE]  }
0x30: {  	s3 =	sld [smem:$0x3FB1]  }
0x31: {  	[smem:$0x3FBA] =	sst s10  }
0x32: {  	s10 =	sld [smem:$0x3FB8];
	_ =	sdelay $0x3  }
0x33: {  	p0 =	seq.s32 s10, $0x1;
	s10 =	sld [smem:$0x3FBA];
	_ =	sdelay $0x3  }
0x34: {  	[smem:$0x3FBA] =	sst s10  }
0x35: {  	s10 =	sld [smem:$0x3FB9];
	_ =	sdelay $0x3  }
0x36: {  	p1 =	seq.s32 s10, $0x1;
	s10 =	sld [smem:$0x3FBA];
	_ =	sdelay $0x3  }
0x37: {  	[smem:$0x3FBA] =	sst s10  }
0x38: {  	s10 =	sld [smem:$0x3FBB]  }
0x39: {  	_ = 	snop;
	(pc) =	sbr.ind lr, $3  }
0x3a: {  	_ = 	snop  }
0x3b: {  	_ = 	snop  }
0x3c: {  	p2 =	seq.s32 s10, $0x1;
	s10 =	sld [smem:$0x3FBA]  }
0x3d: {  	_ =	shalt  }
0x3e: {  	_ =	shalt  }
0x3f: {  	_ =	shalt  }
0x40: {  	_ =	shalt  }
0x41: {  	_ =	shalt  }
0x42: {  	_ =	shalt  }
0x43: {  	_ =	shalt  }
0x44: {  	_ =	shalt  }
0x45: {  	_ =	shalt  }
0x46: {  	_ =	shalt  }
0x47: {  	_ =	shalt  }
0x48: {  	_ =	shalt  }
0x49: {  	_ =	shalt  }
0x4a: {  	_ =	shalt  }
0x4b: {  	_ =	shalt  }
0x4c: {  	_ =	shalt  }
0x4d: {  	_ =	shalt  }
0x4e: {  	_ =	shalt  }
0x4f: {  	_ =	shalt  }
0x50: {  	_ =	shalt  }
0x51: {  	_ =	shalt  }
0x52: {  	_ =	shalt  }
0x53: {  	_ =	shalt  }
0x54: {  	_ =	shalt  }
0x55: {  	_ =	shalt  }
0x56: {  	_ =	shalt  }
0x57: {  	_ =	shalt  }
0x58: {  	_ =	shalt  }
0x59: {  	_ =	shalt  }
0x5a: {  	_ =	shalt  }
0x5b: {  	_ =	shalt  }
0x5c: {  	_ =	shalt  }
0x5d: {  	_ =	shalt  }
0x5e: {  	_ =	shalt  }
0x5f: {  	_ =	shalt  }
0x60: {  	_ =	shalt  }
0x61: {  	_ =	shalt  }
0x62: {  	_ =	shalt  }
0x63: {  	_ =	shalt  }
0x64: {  	_ =	shalt  }
0x65: {  	_ =	shalt  }
0x66: {  	_ =	shalt  }
0x67: {  	_ =	shalt  }
0x68: {  	_ =	shalt  }
0x69: {  	_ =	shalt  }
0x6a: {  	_ =	shalt  }
0x6b: {  	_ =	shalt  }
0x6c: {  	_ =	shalt  }
0x6d: {  	_ =	shalt  }
0x6e: {  	_ =	shalt  }
0x6f: {  	_ =	shalt  }
0x70: {  	_ =	shalt  }
0x71: {  	_ =	shalt  }
0x72: {  	_ =	shalt  }
0x73: {  	_ =	shalt  }
0x74: {  	_ =	shalt  }
0x75: {  	_ =	shalt  }
0x76: {  	_ =	shalt  }
0x77: {  	_ =	shalt  }
0x78: {  	_ =	shalt  }
0x79: {  	_ =	shalt  }
0x7a: {  	_ =	shalt  }
0x7b: {  	_ =	shalt  }
0x7c: {  	_ =	shalt  }
0x7d: {  	_ =	shalt  }
0x7e: {  	_ =	shalt  }
0x7f: {  	_ =	shalt  }
0x80: {  	_ =	shalt  }
0x81: {  	_ =	shalt  }
0x82: {  	_ =	shalt  }
0x83: {  	_ =	shalt  }
0x84: {  	_ =	shalt  }
0x85: {  	_ =	shalt  }
0x86: {  	_ =	shalt  }
0x87: {  	_ =	shalt  }
.Lfunc_end0:
.L_simem_size_0:
called_computation_lowered:
.L_overlay_start_0:
0x88: {  	s2 =	sld [smem:$0x3FD9]  }
0x89: {  	s3 =	sld [smem:$0x3FFE];
	_ =	sdelay $0x1  }
0x8a: {  	s1 =	srdreg.scid  }
0x8b: {  	s0 =	sand.u32 $0x1, s1  }
0x8c: {  	s18 =	sshll.u32 s0, $0xA;
	s2 =	sadd.s32 s3, s2  }
0x8d: {  	s2 =	sadd.s32 s2, s18  }
0x8e: {  	[smem:$0x3FC6] =	sst s2  }
0x8f: {  	_ = 	snop  }
0x90: {  	s2 =	sld [smem:$0x3FC9]  }
0x91: {  	s19 =	sld [smem:$0x3FC8]  }
0x92: {  	s4 =	sld [smem:$0x3FD0];
	(tm) =	ssettm $0x1  }
0x93: {  	s5 =	sld [smem:$0x3FFB];
	_ =	sdelay $0x3  }
0x94: {  	_ =	strace s5  }
0x95: {  	s5 =	sld [smem:$0x3FFC];
	_ =	sdelay $0x3  }
0x96: {  	_ =	strace s5  }
0x97: {  	s5 =	sld [smem:$0x3FFD];
	_ =	sdelay $0x3  }
0x98: {  	_ =	strace s5  }
0x99: {  	_ =	strace $0x8FFFFFFF  }
0x9a: {  	s20 =	sld [smem:$0x3FDB];
	_ =	sdelay $0x1  }
0x9b: {  	s6 =	simm.s32 $_scs_section_size  }
0x9c: {  	s7 =	simm.s32 $_size__tile_overlayer_lowered;
	s8 =	simm.s32 $_tile_overlayer_lowered  }
0x9d: {  	s23 =	simm.s32 $0x1BFF;
	s22 =	sshll.u32 s8, $0x1;
	s5 =	sadd.s32 s6, s20  }
0x9e: {  	s9 =	simm.s32 $0x0;
	s21 =	sshll.u32 s7, $0x1;
	s7 =	sadd.s32 s22, s5  }
0x9f: {  	[timem:s9], [sflag:s23] =	dma.local [hbm:s7], s21  }
0xa0: {  	_ =	swait.ge [sflag:s23], s21  }
0xa1: {  	s6 =	ssub.s32 $0x0, s21;
	[sflag:s23] =	ssyncset.done $0x0  }
0xa2: {  	[sflag:s23] =	ssyncadd.s32 s6;
	_ =	sdelay $0x1  }
0xa3: {  	s24 =	simm.s32 $0x1B8B  }
0xa4: {  	_ =	swait.ge [sflag:s24], $0x1  }
0xa5: {  	[sflag:s24] =	ssyncset.done $0x0  }
0xa6: {  	s25 =	simm.s32 $0x1B8E;
	[sflag:s24] =	ssyncadd.s32 $0xFFFFFFFF  }
0xa7: {  	s26 =	simm.s32 $execute0_lowered;
	[smem:$0x3FD2] =	sst s25  }
0xa8: {  	s6 =	sshll.u32 s26, $0x1;
	_ =	strace $0x80000046;
	[dreg:$0x1] =	wrdreg $0xFFFFFFFF  }
0xa9: {  	s28 =	simm.s32 $_size_execute0_lowered;
	s5 =	sadd.s32 s5, s6;
	[dreg:$0x0] =	wrdreg $0x0  }
0xaa: {  	s6 =	sshll.u32 s28, $0x1;
	[dreg:$0x2] =	wrdreg s5  }
0xab: {  	[dreg:$0x3] =	wrdreg s6  }
0xac: {  	[dreg:$0x4] =	wrdreg $0xC0  }
0xad: {  	_ =	task [dreg:s9], $0x5FFFF  }
0xae: {  	[dreg:$0x1] =	wrdreg $0xFFFFFFFF  }
0xaf: {  	[dreg:$0x0] =	wrdreg $0x60  }
0xb0: {  	[dreg:$0x2] =	wrdreg s2  }
0xb1: {  	[dreg:$0x3] =	wrdreg s19  }
0xb2: {  	[dreg:$0x4] =	wrdreg s4  }
0xb3: {  	[dreg:$0x5] =	wrdreg $0x9  }
0xb4: {  	_ =	task.clear_ibuf [dreg:s9], $0x6FFFF;
	_ =	strace $0x90000046  }
0xb5: {  	s29 =	simm.s32 $0x9;
	_ =	strace $0x80000048  }
0xb6: {  	_ =	swait.ge [sflag:s29], $0x1  }
0xb7: {  	[sflag:s29] =	ssyncadd.s32 $0xFFFFFFFF  }
0xb8: {  	_ =	strace $0x90000048  }
0xb9: {  	_ =	sfence  }
0xba: {  	s30 =	sld [smem:$0x0];
	_ =	sdelay $0x2  }
0xbb: {  	s31 =	sshll.u32 s1, $0xD;
	s1 =	sshrl.u32 s1, $0x2  }
0xbc: {  	s3 =	sand.u32 $0x4000, s31;
	s1 =	sadd.s32 s1, s30  }
0xbd: {  	s0 =	sor.u32 s3, s0;
	s1 =	sshll.u32 s1, $0x11  }
0xbe: {  	s0 =	sor.u32 s1, s0  }
0xbf: {  	s0 =	sadd.s32 $0x8F2B, s0  }
0xc0: {  	[sflag:s0] =	ssyncadd.remote.s32 $0x1  }
0xc1: {  	_ =	sfence.sel $0xFFFF  }
0xc2: {  	[dreg:$0x0] =	wrdreg $0xFFFFFFFF;
	(pc) =	sbr.abs _section_cstart, $3  }
0xc3: {  	[dreg:$0x1] =	wrdreg $0xFFFFFFFF  }
0xc4: {  	_ =	task.clear_ibuf [dreg:s9], $0x2FFFF;
	_ =	strace $0x9FFFFFFF  }
0xc5: {  	(tm) =	ssettm $0x7FFFFFFF  }
tec
execute0_lowered:
.L_overlay_start_1:
0x0: {  	(tag) =	ssettag $0x1  }
0x1: {  	s3 =	rddreg [dreg:$0x0];
	s0 =	srdreg.scid  }
0x2: {  	s1 =	stileid.u32;
	s4 =	rddreg [dreg:$0x2];
	s5 =	simm.s32 $0x0  }
0x3: {  	s0 =	sand.u32 $0x1, s0;
	s1 =	sshll.u32 s1, $0x6;
	[smem:$0x7FF] =	sst s5  }
0x4: {  	s30 =	sadd.s32 $0x400, s4;
	s2 =	sshll.u32 s0, $0x5;
	s0 =	ssub.s32 $0x2, s0  }
0x5: {  	_ =	strace $0x80000047;
	[dreg:$0x9] =	wrdreg s30;
	s6 =	sor.u32 s2, s1  }
0x6: {  	s26 =	sshrl.u32 s0, $0x1;
	s28 =	sor.u32 $0x2, s6;
	[dreg:$0x4] =	wrdreg s6  }
0x7: {  	s1 =	sshll.u32 s6, $0xA;
	s29 =	sshrl.u32 s6, $0x1;
	[dreg:$0x7] =	wrdreg s28  }
.Ltmp0:
0x8: {  	s31 =	sor.u32 $0x3, s6;
	[dreg:$0x8] =	wrdreg s29;
	(pc) =	sbr.rel .LBB2_1-.Ltmp0, $4  }
0x9: {  	s0 =	ssub.s32 s0, s26;
	s1 =	sadd.s32 s3, s1;
	[dreg:$0xa] =	wrdreg s31  }
0xa: {  	s0 =	smax.u32 s0, $0x1;
	[dreg:$0x5] =	wrdreg s1  }
0xb: {  	s14 =	simm.s32 $0x18000;
	s1 =	sadd.s32 $0x400, s1;
	[dreg:$0xb] =	wrdreg s0  }
0xc: {  	s2 =	simm.s32 $0x2000;
	s3 =	simm.s32 $0x0;
	[dreg:$0x6] =	wrdreg s1  }
.LBB2_8:
0xd: {  	s0 =	simm.s32 $0x3  }
0xe: {  	_ =	swait.ge [sflag:s0], $0xA000  }
0xf: {  	[sflag:s0] =	ssyncset.done $0x0  }
0x10: {  	s1 =	simm.s32 $0x4;
	[sflag:s0] =	ssyncadd.s32 $0xFFFF6000  }
0x11: {  	_ =	swait.ge [sflag:s1], $0xA000  }
0x12: {  	s3 =	rddreg [dreg:$0xc]  }
0x13: {  	s31 =	rddreg [dreg:$0xb];
	s3 =	sadd.s32 $0x1, s3  }
0x14: {  	p0 =	sne.s32 s3, s31  }
.Ltmp1:
0x15: {  	_ = 	snop;
	(pc) =	sbr.rel @!p0 .LBB2_9-.Ltmp1, $3  }
0x16: {  	_ =	sdelay $0x1  }
0x17: {  	[sflag:s1] =	ssyncset.done $0x0  }
0x18: {  	[sflag:s1] =	ssyncadd.s32 $0xFFFF6000  }
.LBB2_1:
0x19: {  	[dreg:$0xc] =	wrdreg s3  }
0x1a: {  	s0 =	rddreg [dreg:$0x1];
	s1 =	simm.s32 $0x0;
	s29 =	simm.s32 $0x5  }
0x1b: {  	[tilespmem:s14], [sflag:$0x5] =	stream.linear.gather [hbm4b:s0+s1], $0x80, $0x38;
	[tilespmem:$0x18080] =	vst v63  }
0x1c: {  	_ =	swait.ge [sflag:s29], $0x80  }
0x1d: {  	[sflag:s29] =	ssyncset.done $0x0  }
0x1e: {  	s30 =	rddreg [dreg:$0x5];
	[sflag:s29] =	ssyncadd.s32 $0xFFFFFF80  }
0x1f: {  	[tilespmem:s1], [sflag:$0x1] =	stream.linear.gather [hbm4b:s30+s1], $0x2000, $0x38;
	[tilespmem:$0x18080] =	vst v63  }
0x20: {  	s20 =	simm.s32 $0x2000;
	s25 =	simm.s32 $0x0;
	s31 =	rddreg [dreg:$0x6]  }
0x21: {  	[tilespmem:s2], [sflag:$0x2] =	stream.linear.gather [hbm4b:s31+s1], $0x2000, $0x38;
	[tilespmem:$0x18080] =	vst v63  }
.LBB2_2:
0x22: {  	s0 =	simm.s32 $0x1  }
0x23: {  	p0 =	seq.s32 s25, $0x0;
	_ =	swait.ge [sflag:s0], $0x2000  }
0x24: {  	s1 =	simm.s32 $0x0;
	s2 =	simm.s32 $0x0;
	[sflag:s0] =	ssyncset.done $0x0  }
0x25: {  	s8 =	sand.u32 $0x40, s2;
	[sflag:s0] =	ssyncadd.s32 $0xFFFFE000;
	s0 =	simm.s32 @!p0 $0x3  }
0x26: {  	s9 =	sand.u32 $0x1C00, s1;
	s1 =	sand.u32 $0x380, s1;
	_ =	swait.ge @!p0 [sflag:s0], $0xA000  }
0x27: {  	s19 =	sor.u32 s1, s9;
	s4 =	sor.u32 $0x30, s8;
	[sflag:s0] =	ssyncset.done @!p0 $0x0  }
0x28: {  	s10 =	sor.u32 s4, s19;
	[sflag:s0] =	ssyncadd.s32 @!p0 $0xFFFF6000  }
0x29: {  	s26 =	sor.u32 $0x10, s8;
	v0 =	vld [tilespmem:s10+$0x0]  }
0x2a: {  	s13 =	sor.u32 $0x20, s8;
	s1 =	sor.u32 s26, s19  }
0x2b: {  	s2 =	sor.u32 s13, s19;
	v2 =	vld [tilespmem:s1+$0x0]  }
0x2c: {  	s3 =	sor.u32 s8, s19;
	v4 =	vld [tilespmem:s2+$0x0]  }
0x2d: {  	v1 =	vld [tilespmem:s3+$0x0];
	_ =	sdelay $0x3  }
0x2e: {  	v3 =	vld.idx.msk [tilespmem:v0+s14+$0x0], $0xffff;
	_ =	sdelay $0x1  }
0x2f: {  	v5 =	vadd.s32 $0x8, v0;
	v6 =	vld.idx.msk [tilespmem:v2+s14+$0x0], $0xffff  }
0x30: {  	v7 =	vadd.s32 $0x8, v2;
	v8 =	vld.idx.msk [tilespmem:v4+s14+$0x0], $0xffff  }
0x31: {  	v9 =	vadd.s32 $0x8, v4;
	v10 =	vld.idx.msk [tilespmem:v1+s14+$0x0], $0xffff  }
0x32: {  	[tilespmem:s10+$0x4000] =	vst v3;
	v3 =	vadd.s32 $0x8, v1;
	_ =	sdelay $0x1  }
0x33: {  	s11 =	simm.s32 $0x8;
	s12 =	simm.s32 $0x40;
	s6 =	simm.s32 $0x200;
	[tilespmem:s1+$0x4000] =	vst v6;
	v5 =	vld.idx.msk [tilespmem:v5+s14+$0x0], $0xffff  }
0x34: {  	s7 =	sand.u32 $0x40, s12;
	s15 =	sand.u32 $0x1C00, s6;
	v11 =	vadd.s32 $0x10, v0;
	[tilespmem:s2+$0x4000] =	vst v8;
	s1 =	sand.u32 $0x380, s11;
	v6 =	vld.idx.msk [tilespmem:v7+s14+$0x0], $0xffff  }
0x35: {  	s22 =	sor.u32 $0x10, s7;
	[tilespmem:s3+$0x4000] =	vst v10;
	v7 =	vld.idx.msk [tilespmem:v9+s14+$0x0], $0xffff;
	s24 =	sor.u32 s1, s15  }
0x36: {  	s0 =	sor.u32 $0x6000, s19;
	s15 =	sor.u32 $0x20, s7;
	s16 =	sor.u32 s22, s24;
	v8 =	vld.idx.msk [tilespmem:v3+s14+$0x0], $0xffff  }
0x37: {  	s5 =	sor.u32 s4, s0;
	v9 =	vadd.s32 $0x10, v2;
	s17 =	sor.u32 s15, s24;
	v3 =	vld [tilespmem:s16+$0x0]  }
0x38: {  	s23 =	sor.u32 $0x30, s7;
	v13 =	vadd.s32 $0x10, v4;
	[tilespmem:s5+$0x0] =	vst v5;
	v5 =	vld [tilespmem:s17+$0x0]  }
0x39: {  	v14 =	vadd.s32 $0x10, v1;
	s2 =	sor.u32 s23, s24;
	v10 =	vld.idx.msk [tilespmem:v11+s14+$0x0], $0xffff  }
0x3a: {  	s18 =	sor.u32 s26, s0;
	v12 =	vadd.s32 $0x18, v0;
	s6 =	sor.u32 s7, s24;
	v11 =	vld [tilespmem:s2+$0x0]  }
0x3b: {  	s10 =	sor.u32 s13, s0;
	[tilespmem:s18+$0x0] =	vst v6;
	v6 =	vld [tilespmem:s6+$0x0]  }
0x3c: {  	s9 =	sor.u32 $0x8000, s19;
	s0 =	sor.u32 s8, s0;
	[tilespmem:s10+$0x0] =	vst v7;
	v9 =	vld.idx.msk [tilespmem:v9+s14+$0x0], $0xffff  }
0x3d: {  	s21 =	sor.u32 s4, s9;
	[tilespmem:s0+$0x0] =	vst v8;
	v8 =	vld.idx.msk [tilespmem:v13+s14+$0x0], $0xffff  }
0x3e: {  	[tilespmem:s21+$0x0] =	vst v10;
	v10 =	vld.idx.msk [tilespmem:v14+s14+$0x0], $0xffff  }
0x3f: {  	v7 =	vld.idx.msk [tilespmem:v12+s14+$0x0], $0xffff;
	v12 =	vadd.s32 $0x18, v2  }
0x40: {  	v0 =	vadd.s32 $0x20, v0;
	v15 =	vld.idx.msk [tilespmem:v3+s14+$0x0], $0xffff  }
0x41: {  	s11 =	sor.u32 s26, s9;
	v18 =	vadd.s32 $0x8, v3;
	v16 =	vld.idx.msk [tilespmem:v5+s14+$0x0], $0xffff  }
0x42: {  	s12 =	sor.u32 s13, s9;
	s1 =	sor.u32 $0xA000, s19;
	v14 =	vadd.s32 $0x18, v4;
	[tilespmem:s11+$0x0] =	vst v9;
	v13 =	vld.idx.msk [tilespmem:v11+s14+$0x0], $0xffff  }
0x43: {  	s10 =	sor.u32 s4, s1;
	v17 =	vadd.s32 $0x8, v11;
	v19 =	vld.idx.msk [tilespmem:v6+s14+$0x0], $0xffff;
	[tilespmem:s12+$0x0] =	vst v8  }
0x44: {  	s0 =	simm.s32 $0x80;
	[tilespmem:s10+$0x0] =	vst v7;
	v8 =	vld.idx.msk [tilespmem:v12+s14+$0x0], $0xffff  }
0x45: {  	s3 =	simm.s32 $0x400;
	s28 =	sand.u32 $0x40, s0;
	v7 =	vadd.s32 $0x8, v5;
	[tilespmem:s16+$0x4000] =	vst v15;
	s10 =	simm.s32 $0x10;
	v9 =	vld.idx.msk [tilespmem:v0+s14+$0x0], $0xffff  }
0x46: {  	s12 =	sand.u32 $0x1C00, s3;
	v12 =	vadd.s32 $0x18, v1;
	s16 =	sor.u32 s8, s9;
	v15 =	vld.idx.msk [tilespmem:v18+s14+$0x0], $0xffff;
	s9 =	sand.u32 $0x380, s10  }
0x47: {  	s31 =	sor.u32 $0x10, s28;
	v0 =	vadd.s32 $0x8, v6;
	[tilespmem:s2+$0x4000] =	vst v13;
	v13 =	vld.idx.msk [tilespmem:v14+s14+$0x0], $0xffff;
	s30 =	sor.u32 s9, s12  }
0x48: {  	v2 =	vadd.s32 $0x20, v2;
	[tilespmem:s17+$0x4000] =	vst v16;
	v14 =	vld.idx.msk [tilespmem:v17+s14+$0x0], $0xffff;
	s10 =	sor.u32 s31, s30  }
0x49: {  	[tilespmem:s6+$0x4000] =	vst v19;
	v19 =	vld [tilespmem:s10+$0x0]  }
0x4a: {  	[tilespmem:s16+$0x0] =	vst v10;
	v7 =	vld.idx.msk [tilespmem:v7+s14+$0x0], $0xffff  }
0x4b: {  	s17 =	sor.u32 s26, s1;
	v16 =	vadd.s32 $0x10, v11;
	v12 =	vld.idx.msk [tilespmem:v12+s14+$0x0], $0xffff  }
0x4c: {  	s5 =	sor.u32 $0xC000, s19;
	v4 =	vadd.s32 $0x20, v4;
	s2 =	sor.u32 $0x30, s28;
	[tilespmem:s17+$0x0] =	vst v8;
	v10 =	vld.idx.msk [tilespmem:v0+s14+$0x0], $0xffff  }
0x4d: {  	s4 =	sor.u32 s4, s5;
	s21 =	sor.u32 $0x6000, s24;
	s9 =	sor.u32 s2, s30;
	v2 =	vld.idx.msk [tilespmem:v2+s14+$0x0], $0xffff  }
0x4e: {  	s11 =	sor.u32 s23, s21;
	v8 =	vadd.s32 $0x10, v3;
	v0 =	vld [tilespmem:s9+$0x0];
	[tilespmem:s4+$0x0] =	vst v9;
	s4 =	sor.u32 s28, s30  }
0x4f: {  	s18 =	sor.u32 s13, s1;
	v17 =	vadd.s32 $0x10, v6;
	v21 =	vld [tilespmem:s4+$0x0];
	[tilespmem:s11+$0x0] =	vst v14  }
0x50: {  	s29 =	sor.u32 $0x20, s28;
	s12 =	sor.u32 s22, s21;
	[tilespmem:s18+$0x0] =	vst v13;
	v13 =	vld.idx.msk [tilespmem:v16+s14+$0x0], $0xffff;
	v16 =	vadd.s32 $0x10, v5  }
0x51: {  	s17 =	sor.u32 s15, s21;
	[tilespmem:s12+$0x0] =	vst v15;
	v4 =	vld.idx.msk [tilespmem:v4+s14+$0x0], $0xffff;
	v14 =	vadd.s32 $0x18, v11;
	s11 =	sor.u32 s29, s30  }
0x52: {  	s6 =	sor.u32 s7, s21;
	v20 =	vld [tilespmem:s11+$0x0];
	[tilespmem:s17+$0x0] =	vst v7  }
0x53: {  	s19 =	sor.u32 $0x8000, s24;
	s1 =	sor.u32 s8, s1;
	v8 =	vld.idx.msk [tilespmem:v8+s14+$0x0], $0xffff;
	[tilespmem:s6+$0x0] =	vst v10  }
0x54: {  	s16 =	sor.u32 s23, s19;
	[tilespmem:s1+$0x0] =	vst v12;
	v10 =	vld.idx.msk [tilespmem:v17+s14+$0x0], $0xffff  }
0x55: {  	v12 =	vadd.s32 $0x18, v3;
	[tilespmem:s16+$0x0] =	vst v13;
	v9 =	vld.idx.msk [tilespmem:v16+s14+$0x0], $0xffff  }
0x56: {  	s21 =	sor.u32 s13, s5;
	v7 =	vld.idx.msk [tilespmem:v14+s14+$0x0], $0xffff  }
0x57: {  	s18 =	sor.u32 s26, s5;
	[tilespmem:s21+$0x0] =	vst v4;
	v4 =	vld.idx.msk [tilespmem:v19+s14+$0x0], $0xffff;
	v13 =	vadd.s32 $0x18, v5  }
0x58: {  	s26 =	sor.u32 s22, s19;
	v11 =	vadd.s32 $0x20, v11;
	[tilespmem:s18+$0x0] =	vst v2;
	v2 =	vld.idx.msk [tilespmem:v0+s14+$0x0], $0xffff  }
0x59: {  	s12 =	sor.u32 $0xA000, s24;
	s16 =	sor.u32 s15, s19;
	v14 =	vadd.s32 $0x8, v0;
	[tilespmem:s26+$0x0] =	vst v8;
	v16 =	vld.idx.msk [tilespmem:v21+s14+$0x0], $0xffff  }
0x5a: {  	v25 =	vadd.s32 $0x18, v6;
	s13 =	sor.u32 s23, s12;
	v24 =	vld.idx.msk [tilespmem:v12+s14+$0x0], $0xffff;
	[tilespmem:s16+$0x0] =	vst v9  }
0x5b: {  	s17 =	sor.u32 s7, s19;
	v15 =	vld.idx.msk [tilespmem:v20+s14+$0x0], $0xffff;
	[tilespmem:s13+$0x0] =	vst v7;
	v7 =	vadd.s32 $0x8, v19  }
0x5c: {  	v23 =	vadd.s32 $0x8, v21;
	[tilespmem:s17+$0x0] =	vst v10;
	v17 =	vld.idx.msk [tilespmem:v13+s14+$0x0], $0xffff  }
0x5d: {  	v22 =	vadd.s32 $0x8, v20;
	[tilespmem:s9+$0x4000] =	vst v2;
	v11 =	vld.idx.msk [tilespmem:v11+s14+$0x0], $0xffff  }
0x5e: {  	s18 =	sor.u32 $0xC000, s24;
	s24 =	sor.u32 s7, s12;
	v8 =	vadd.s32 $0x10, v21;
	[tilespmem:s10+$0x4000] =	vst v4;
	v4 =	vadd.s32 $0x20, v3;
	v18 =	vld.idx.msk [tilespmem:v14+s14+$0x0], $0xffff  }
0x5f: {  	s23 =	sor.u32 s23, s18;
	s21 =	sor.u32 s22, s12;
	v12 =	vadd.s32 $0x20, v20;
	v10 =	vadd.s32 $0x10, v19;
	v3 =	vadd.s32 $0x20, v5;
	s1 =	rddreg [dreg:$0x4];
	[tilespmem:s4+$0x4000] =	vst v16;
	v16 =	vld.idx.msk [tilespmem:v25+s14+$0x0], $0xffff  }
0x60: {  	s7 =	sor.u32 s7, s18;
	s19 =	sor.u32 s22, s18;
	s26 =	sshll.u32 s25, $0x1;
	v9 =	vadd.s32 $0x10, v20;
	[tilespmem:s21+$0x0] =	vst v24;
	v14 =	vld.idx.msk [tilespmem:v7+s14+$0x0], $0xffff;
	v7 =	vadd.s32 $0x18, v20;
	v20 =	vadd.s32 $0x10, v0  }
0x61: {  	v5 =	vadd.s32 $0x18, v19;
	v2 =	vadd.s32 $0x20, v1;
	s9 =	sor.u32 $0x6000, s30;
	s13 =	sor.u32 s8, s5;
	v13 =	vadd.s32 $0x20, v19;
	s4 =	simm.s32 $0x18;
	[tilespmem:s11+$0x4000] =	vst v15;
	v19 =	vld.idx.msk [tilespmem:v23+s14+$0x0], $0xffff  }
0x62: {  	v1 =	vadd.s32 $0x20, v6;
	v6 =	vadd.s32 $0x18, v21;
	s8 =	sadd.s32 s1, s26;
	s11 =	sor.u32 s15, s12;
	s15 =	sor.u32 s15, s18;
	v15 =	vld.idx.msk [tilespmem:v22+s14+$0x0], $0xffff;
	[tilespmem:s23+$0x0] =	vst v11;
	v11 =	vadd.s32 $0x20, v21  }
.LBB2_3:
0x63: {  	s0 =	sadd.s32 $0x40, s0;
	s1 =	sor.u32 s2, s9;
	s3 =	sadd.s32 $0x200, s3;
	v21 =	vld.idx.msk [tilespmem:v4+s14+$0x0], $0xffff;
	[tilespmem:s11+$0x0] =	vst v17;
	v4 =	vmov v13  }
0x64: {  	s6 =	sand.u32 $0x380, s4;
	s22 =	sand.u32 $0x40, s0;
	s5 =	sand.u32 $0x1C00, s3;
	[tilespmem:s1+$0x0] =	vst v18;
	v13 =	vld.idx.msk [tilespmem:v3+s14+$0x0], $0xffff;
	v3 =	vmov v12  }
0x65: {  	s5 =	sor.u32 s6, s5;
	s21 =	sor.u32 $0x10, s22;
	s23 =	sor.u32 $0x30, s22;
	v12 =	vld.idx.msk [tilespmem:v20+s14+$0x0], $0xffff  }
0x66: {  	s11 =	sor.u32 $0x20, s22;
	s12 =	sor.u32 s21, s5;
	s10 =	sor.u32 s23, s5;
	v17 =	vld.idx.msk [tilespmem:v2+s14+$0x0], $0xffff;
	v2 =	vmov v1;
	v1 =	vmov v11  }
0x67: {  	s18 =	sor.u32 s28, s9;
	v18 =	vadd.s32 $0x18, v0;
	s1 =	sor.u32 s22, s5;
	s6 =	sor.u32 s11, s5;
	v11 =	vld [tilespmem:s10+$0x0]  }
0x68: {  	s16 =	sor.u32 s29, s9;
	p1 =	slt.u32 s0, $0x1FC0;
	v20 =	vld [tilespmem:s12+$0x0];
	[tilespmem:s18+$0x0] =	vst v19;
	s18 =	sor.u32 s31, s9  }
0x69: {  	s17 =	sor.u32 $0x8000, s30;
	s9 =	smov.u32 s29;
	s29 =	smov.u32 s11;
	v19 =	vld [tilespmem:s6+$0x0];
	[tilespmem:s18+$0x0] =	vst v14  }
0x6a: {  	s11 =	sor.u32 s31, s17;
	s18 =	sor.u32 s28, s17;
	v14 =	vld [tilespmem:s1+$0x0];
	[tilespmem:s16+$0x0] =	vst v15;
	s16 =	sor.u32 s2, s17  }
0x6b: {  	s17 =	sor.u32 s9, s17;
	v15 =	vld.idx.msk [tilespmem:v10+s14+$0x0], $0xffff;
	[tilespmem:s16+$0x0] =	vst v12  }
0x6c: {  	v18 =	vld.idx.msk [tilespmem:v18+s14+$0x0], $0xffff;
	[tilespmem:s24+$0x0] =	vst v16  }
0x6d: {  	v16 =	vadd.s32 $0x8, v20;
	v10 =	vadd.s32 $0x10, v20;
	v22 =	vadd.s32 $0x18, v20;
	v23 =	vld.idx.msk [tilespmem:v9+s14+$0x0], $0xffff;
	[tilespmem:s19+$0x0] =	vst v21  }
0x6e: {  	v25 =	vadd.s32 $0x20, v0;
	v0 =	vmovc v11;
	v21 =	vadd.s32 $0x8, v19;
	v9 =	vadd.s32 $0x10, v19;
	v24 =	vld.idx.msk [tilespmem:v8+s14+$0x0], $0xffff;
	[tilespmem:s15+$0x0] =	vst v13  }
0x6f: {  	v27 =	vadd.s32 $0x18, v19;
	v26 =	vadd.s32 $0x8, v14;
	v8 =	vadd.s32 $0x10, v14;
	v28 =	vld.idx.msk [tilespmem:v11+s14+$0x0], $0xffff;
	[tilespmem:s13+$0x0] =	vst v17;
	s13 =	smov.u32 s7  }
0x70: {  	v13 =	vadd.s32 $0x20, v20;
	v12 =	vadd.s32 $0x20, v19;
	v29 =	vadd.s32 $0x18, v14;
	s7 =	sor.u32 $0xA000, s30;
	v30 =	vld.idx.msk [tilespmem:v20+s14+$0x0], $0xffff  }
0x71: {  	v11 =	vadd.s32 $0x20, v14;
	v20 =	vadd.s32 $0x8, v0;
	s24 =	sor.u32 s28, s7;
	s16 =	sor.u32 s31, s7;
	s15 =	sor.u32 s2, s7;
	v19 =	vld.idx.msk [tilespmem:v19+s14+$0x0], $0xffff;
	[tilespmem:s11+$0x0] =	vst v15  }
0x72: {  	s11 =	sor.u32 s9, s7;
	v15 =	vld.idx.msk [tilespmem:v14+s14+$0x0], $0xffff;
	[tilespmem:s15+$0x0] =	vst v18  }
0x73: {  	[tilespmem:s17+$0x0] =	vst v23;
	v23 =	vld.idx.msk [tilespmem:v25+s14+$0x0], $0xffff  }
0x74: {  	[tilespmem:s18+$0x0] =	vst v24;
	v24 =	vld.idx.msk [tilespmem:v5+s14+$0x0], $0xffff;
	v5 =	vmov v22  }
0x75: {  	[tilespmem:s10+$0x4000] =	vst v28;
	v17 =	vld.idx.msk [tilespmem:v7+s14+$0x0], $0xffff;
	v7 =	vmov v27  }
.Ltmp2:
0x76: {  	[tilespmem:s12+$0x4000] =	vst v30;
	v18 =	vld.idx.msk [tilespmem:v20+s14+$0x0], $0xffff;
	(pc) =	sbr.rel @p1 .LBB2_3-.Ltmp2, $4  }
0x77: {  	v14 =	vld.idx.msk [tilespmem:v16+s14+$0x0], $0xffff;
	[tilespmem:s6+$0x4000] =	vst v19;
	s6 =	sor.u32 $0xC000, s30;
	s30 =	smov.u32 s5  }
0x78: {  	v20 =	vadd.s32 $0x10, v0;
	[tilespmem:s1+$0x4000] =	vst v15;
	v15 =	vld.idx.msk [tilespmem:v21+s14+$0x0], $0xffff;
	s7 =	sor.u32 s28, s6;
	s19 =	sor.u32 s31, s6;
	s1 =	sor.u32 s2, s6  }
0x79: {  	s15 =	sor.u32 s9, s6;
	s28 =	smov.u32 s22;
	s31 =	smov.u32 s21;
	v19 =	vld.idx.msk [tilespmem:v26+s14+$0x0], $0xffff;
	[tilespmem:s1+$0x0] =	vst v23  }
0x7a: {  	s4 =	sadd.s32 $0x8, s4;
	s9 =	sor.u32 $0x6000, s30;
	s2 =	smov.u32 s23;
	v16 =	vld.idx.msk [tilespmem:v6+s14+$0x0], $0xffff;
	[tilespmem:s16+$0x0] =	vst v24;
	v6 =	vmov v29  }
0x7b: {  	_ =	sdelay $0x1  }
0x7c: {  	s0 =	sor.u32 s2, s9  }
0x7d: {  	s6 =	sor.u32 s31, s9;
	[tilespmem:s0+$0x0] =	vst v18  }
0x7e: {  	s1 =	sor.u32 s29, s9;
	[tilespmem:s6+$0x0] =	vst v14;
	v18 =	vld.idx.msk [tilespmem:v20+s14+$0x0], $0xffff  }
0x7f: {  	s10 =	sor.u32 s28, s9;
	v14 =	vadd.s32 $0x18, v0;
	[tilespmem:s1+$0x0] =	vst v15;
	v10 =	vld.idx.msk [tilespmem:v10+s14+$0x0], $0xffff  }
0x80: {  	v9 =	vld.idx.msk [tilespmem:v9+s14+$0x0], $0xffff;
	[tilespmem:s10+$0x0] =	vst v19  }
0x81: {  	s12 =	sor.u32 $0x8000, s30;
	[tilespmem:s11+$0x0] =	vst v17;
	v8 =	vld.idx.msk [tilespmem:v8+s14+$0x0], $0xffff  }
0x82: {  	v4 =	vld.idx.msk [tilespmem:v4+s14+$0x0], $0xffff;
	s16 =	sor.u32 s2, s12;
	[tilespmem:s24+$0x0] =	vst v16  }
0x83: {  	s3 =	sor.u32 s31, s12;
	v3 =	vld.idx.msk [tilespmem:v3+s14+$0x0], $0xffff;
	[tilespmem:s16+$0x0] =	vst v18  }
0x84: {  	s17 =	sor.u32 s29, s12;
	[tilespmem:s3+$0x0] =	vst v10;
	v14 =	vld.idx.msk [tilespmem:v14+s14+$0x0], $0xffff  }
0x85: {  	v0 =	vadd.s32 $0x20, v0;
	s0 =	sor.u32 s28, s12;
	[tilespmem:s17+$0x0] =	vst v9;
	v5 =	vld.idx.msk [tilespmem:v5+s14+$0x0], $0xffff  }
0x86: {  	v7 =	vld.idx.msk [tilespmem:v7+s14+$0x0], $0xffff;
	[tilespmem:s0+$0x0] =	vst v8  }
0x87: {  	s18 =	sor.u32 $0xA000, s30;
	[tilespmem:s19+$0x0] =	vst v4;
	v4 =	vld.idx.msk [tilespmem:v6+s14+$0x0], $0xffff  }
0x88: {  	v2 =	vld.idx.msk [tilespmem:v2+s14+$0x0], $0xffff;
	s19 =	sor.u32 s2, s18;
	[tilespmem:s15+$0x0] =	vst v3  }
0x89: {  	s21 =	sor.u32 s31, s18;
	v1 =	vld.idx.msk [tilespmem:v1+s14+$0x0], $0xffff;
	[tilespmem:s19+$0x0] =	vst v14  }
0x8a: {  	s22 =	sor.u32 s29, s18;
	[tilespmem:s21+$0x0] =	vst v5;
	v0 =	vld.idx.msk [tilespmem:v0+s14+$0x0], $0xffff  }
0x8b: {  	s23 =	sor.u32 s28, s18;
	v5 =	vld.idx.msk [tilespmem:v13+s14+$0x0], $0xffff;
	[tilespmem:s22+$0x0] =	vst v7  }
0x8c: {  	v3 =	vld.idx.msk [tilespmem:v12+s14+$0x0], $0xffff;
	[tilespmem:s23+$0x0] =	vst v4  }
0x8d: {  	s24 =	sor.u32 $0xC000, s30;
	[tilespmem:s13+$0x0] =	vst v2;
	v2 =	vld.idx.msk [tilespmem:v11+s14+$0x0], $0xffff  }
0x8e: {  	s3 =	sor.u32 s2, s24;
	[tilespmem:s7+$0x0] =	vst v1  }
0x8f: {  	s4 =	sor.u32 s31, s24;
	[tilespmem:s3+$0x0] =	vst v0  }
0x90: {  	s5 =	sor.u32 s29, s24;
	[tilespmem:s4+$0x0] =	vst v5  }
0x91: {  	s8 =	sshll.u32 s8, $0xA;
	s9 =	rddreg [dreg:$0x2];
	s6 =	sor.u32 s28, s24;
	[tilespmem:s5+$0x0] =	vst v3  }
0x92: {  	s11 =	simm.s32 $0x4000;
	s10 =	simm.s32 $0x800000;
	s0 =	sadd.s32 s9, s8;
	[tilespmem:s6+$0x0] =	vst v2  }
0x93: {  	[hbm4b:s0+s20] =	stream.strided.scatter [tilespmem:s11], [sflag:$0x3], $0xA000, s10, s20, $0x38;
	[tilespmem:$0x18080] =	vst v63  }
0x94: {  	p1 =	seq.s32 s25, $0xF;
	s0 =	rddreg [dreg:$0x7]  }
0x95: {  	s0 =	sadd.s32 @!p1 s26, s0  }
0x96: {  	s1 =	rddreg [dreg:$0x0];
	s0 =	sshll.u32 @!p1 s0, $0xA  }
0x97: {  	s12 =	simm.s32 $0x2;
	s0 =	sadd.s32 @!p1 s1, s0;
	s1 =	simm.s32 @!p1 $0x0  }
0x98: {  	[tilespmem:s1], [sflag:$0x1] =	stream.linear.gather @!p1 [hbm4b:s0+s1], $0x2000, $0x38;
	[tilespmem:$0x18080] =	vst v63  }
0x99: {  	_ =	swait.ge [sflag:s12], $0x2000  }
0x9a: {  	s13 =	simm.s32 $0x0;
	s15 =	simm.s32 $0x0;
	[sflag:s12] =	ssyncset.done $0x0  }
0x9b: {  	s16 =	sand.u32 $0x1C00, s13;
	s0 =	simm.s32 @!p0 $0x4;
	[sflag:s12] =	ssyncadd.s32 $0xFFFFE000  }
0x9c: {  	s8 =	sand.u32 $0x40, s15;
	s1 =	sand.u32 $0x380, s13;
	_ =	swait.ge @!p0 [sflag:s0], $0xA000  }
0x9d: {  	s19 =	sor.u32 $0x30, s8;
	s29 =	sor.u32 s1, s16;
	[sflag:s0] =	ssyncset.done @!p0 $0x0  }
0x9e: {  	s17 =	sor.u32 s19, s29;
	[sflag:s0] =	ssyncadd.s32 @!p0 $0xFFFF6000  }
0x9f: {  	s4 =	sor.u32 $0x10, s8;
	v0 =	vld [tilespmem:s17+$0x2000]  }
0xa0: {  	s13 =	sor.u32 $0x20, s8;
	s1 =	sor.u32 s4, s29  }
0xa1: {  	s2 =	sor.u32 s13, s29;
	v2 =	vld [tilespmem:s1+$0x2000]  }
0xa2: {  	s18 =	sor.u32 s8, s29;
	v4 =	vld [tilespmem:s2+$0x2000]  }
0xa3: {  	v1 =	vld [tilespmem:s18+$0x2000];
	_ =	sdelay $0x3  }
0xa4: {  	v3 =	vld.idx.msk [tilespmem:v0+s14+$0x0], $0xffff  }
0xa5: {  	v5 =	vadd.s32 $0x8, v0  }
0xa6: {  	v6 =	vld.idx.msk [tilespmem:v2+s14+$0x0], $0xffff  }
0xa7: {  	v7 =	vadd.s32 $0x8, v2;
	v8 =	vld.idx.msk [tilespmem:v4+s14+$0x0], $0xffff  }
0xa8: {  	v9 =	vadd.s32 $0x8, v4;
	v10 =	vld.idx.msk [tilespmem:v1+s14+$0x0], $0xffff  }
0xa9: {  	[tilespmem:s17+$0xE000] =	vst v3;
	v3 =	vadd.s32 $0x8, v1  }
0xaa: {  	v5 =	vld.idx.msk [tilespmem:v5+s14+$0x0], $0xffff  }
0xab: {  	s24 =	simm.s32 $0x40;
	s23 =	simm.s32 $0x8;
	s6 =	simm.s32 $0x200;
	v11 =	vadd.s32 $0x10, v0;
	[tilespmem:s1+$0xE000] =	vst v6  }
0xac: {  	s7 =	sand.u32 $0x40, s24;
	s3 =	sand.u32 $0x1C00, s6;
	[tilespmem:s2+$0xE000] =	vst v8;
	s1 =	sand.u32 $0x380, s23;
	v6 =	vld.idx.msk [tilespmem:v7+s14+$0x0], $0xffff  }
0xad: {  	s15 =	sor.u32 $0x20, s7;
	s21 =	sor.u32 $0x10000, s29;
	[tilespmem:s18+$0xE000] =	vst v10;
	v7 =	vld.idx.msk [tilespmem:v9+s14+$0x0], $0xffff;
	s24 =	sor.u32 s1, s3  }
0xae: {  	s5 =	sor.u32 s19, s21;
	s9 =	sor.u32 s15, s24;
	v8 =	vld.idx.msk [tilespmem:v3+s14+$0x0], $0xffff  }
0xaf: {  	s23 =	sor.u32 $0x30, s7;
	v9 =	vadd.s32 $0x10, v2;
	[tilespmem:s5+$0x0] =	vst v5;
	v5 =	vld [tilespmem:s9+$0x2000]  }
0xb0: {  	s22 =	sor.u32 $0x10, s7;
	v13 =	vadd.s32 $0x10, v4;
	s2 =	sor.u32 s23, s24;
	v10 =	vld.idx.msk [tilespmem:v11+s14+$0x0], $0xffff  }
0xb1: {  	v14 =	vadd.s32 $0x10, v1;
	s5 =	sor.u32 s22, s24;
	v11 =	vld [tilespmem:s2+$0x2000]  }
0xb2: {  	s11 =	sor.u32 s4, s21;
	v12 =	vadd.s32 $0x18, v0;
	s6 =	sor.u32 s7, s24;
	v3 =	vld [tilespmem:s5+$0x2000]  }
0xb3: {  	s10 =	sor.u32 s13, s21;
	[tilespmem:s11+$0x0] =	vst v6;
	v6 =	vld [tilespmem:s6+$0x2000]  }
0xb4: {  	s12 =	sor.u32 $0x12000, s29;
	s0 =	sor.u32 s8, s21;
	[tilespmem:s10+$0x0] =	vst v7;
	v9 =	vld.idx.msk [tilespmem:v9+s14+$0x0], $0xffff  }
0xb5: {  	s16 =	sor.u32 s19, s12;
	[tilespmem:s0+$0x0] =	vst v8;
	v8 =	vld.idx.msk [tilespmem:v13+s14+$0x0], $0xffff  }
0xb6: {  	[tilespmem:s16+$0x0] =	vst v10;
	v10 =	vld.idx.msk [tilespmem:v14+s14+$0x0], $0xffff  }
0xb7: {  	v7 =	vld.idx.msk [tilespmem:v12+s14+$0x0], $0xffff;
	v12 =	vadd.s32 $0x18, v2  }
0xb8: {  	v0 =	vadd.s32 $0x20, v0;
	v16 =	vld.idx.msk [tilespmem:v5+s14+$0x0], $0xffff  }
0xb9: {  	s18 =	sor.u32 s4, s12;
	v14 =	vadd.s32 $0x18, v4;
	v13 =	vld.idx.msk [tilespmem:v11+s14+$0x0], $0xffff  }
0xba: {  	s21 =	sor.u32 s13, s12;
	s1 =	sor.u32 $0x14000, s29;
	v17 =	vadd.s32 $0x8, v11;
	[tilespmem:s18+$0x0] =	vst v9;
	v15 =	vld.idx.msk [tilespmem:v3+s14+$0x0], $0xffff  }
0xbb: {  	s17 =	sor.u32 s19, s1;
	v18 =	vadd.s32 $0x8, v3;
	v19 =	vld.idx.msk [tilespmem:v6+s14+$0x0], $0xffff;
	[tilespmem:s21+$0x0] =	vst v8  }
0xbc: {  	[tilespmem:s17+$0x0] =	vst v7;
	v7 =	vadd.s32 $0x8, v5;
	v8 =	vld.idx.msk [tilespmem:v12+s14+$0x0], $0xffff  }
0xbd: {  	v12 =	vadd.s32 $0x18, v1;
	v9 =	vld.idx.msk [tilespmem:v0+s14+$0x0], $0xffff;
	[tilespmem:s9+$0xE000] =	vst v16  }
0xbe: {  	[tilespmem:s2+$0xE000] =	vst v13;
	v13 =	vld.idx.msk [tilespmem:v14+s14+$0x0], $0xffff  }
0xbf: {  	s3 =	simm.s32 $0x400;
	v0 =	vadd.s32 $0x8, v6;
	s9 =	sor.u32 s8, s12;
	s12 =	simm.s32 $0x10;
	[tilespmem:s5+$0xE000] =	vst v15;
	v14 =	vld.idx.msk [tilespmem:v17+s14+$0x0], $0xffff  }
0xc0: {  	s0 =	simm.s32 $0x80;
	v2 =	vadd.s32 $0x20, v2;
	s17 =	sand.u32 $0x1C00, s3;
	[tilespmem:s9+$0x0] =	vst v10;
	s9 =	sand.u32 $0x380, s12;
	v15 =	vld.idx.msk [tilespmem:v18+s14+$0x0], $0xffff  }
0xc1: {  	s28 =	sand.u32 $0x40, s0;
	s30 =	sor.u32 s9, s17;
	v7 =	vld.idx.msk [tilespmem:v7+s14+$0x0], $0xffff  }
0xc2: {  	s5 =	sor.u32 s28, s30;
	v12 =	vld.idx.msk [tilespmem:v12+s14+$0x0], $0xffff  }
0xc3: {  	s10 =	sor.u32 s4, s1;
	[tilespmem:s6+$0xE000] =	vst v19;
	v16 =	vadd.s32 $0x10, v11;
	v21 =	vld [tilespmem:s5+$0x2000]  }
0xc4: {  	s6 =	sor.u32 $0x10000, s24;
	s2 =	sor.u32 $0x30, s28;
	[tilespmem:s10+$0x0] =	vst v8;
	v10 =	vld.idx.msk [tilespmem:v0+s14+$0x0], $0xffff  }
0xc5: {  	v4 =	vadd.s32 $0x20, v4;
	s9 =	sor.u32 s2, s30;
	s10 =	sor.u32 $0x16000, s29;
	s29 =	sor.u32 $0x20, s28;
	v2 =	vld.idx.msk [tilespmem:v2+s14+$0x0], $0xffff  }
0xc6: {  	s16 =	sor.u32 s23, s6;
	v8 =	vadd.s32 $0x10, v3;
	v0 =	vld [tilespmem:s9+$0x2000];
	s12 =	sor.u32 s29, s30  }
0xc7: {  	s11 =	sor.u32 s13, s1;
	s31 =	sor.u32 $0x10, s28;
	v17 =	vadd.s32 $0x10, v6;
	v20 =	vld [tilespmem:s12+$0x2000];
	[tilespmem:s16+$0x0] =	vst v14  }
0xc8: {  	s18 =	sor.u32 s19, s10;
	[tilespmem:s11+$0x0] =	vst v13;
	s11 =	sor.u32 s31, s30;
	v13 =	vld.idx.msk [tilespmem:v16+s14+$0x0], $0xffff;
	v16 =	vadd.s32 $0x10, v5  }
0xc9: {  	[tilespmem:s18+$0x0] =	vst v9;
	v14 =	vadd.s32 $0x18, v11;
	v19 =	vld [tilespmem:s11+$0x2000];
	s16 =	sor.u32 s22, s6  }
0xca: {  	s21 =	sor.u32 s15, s6;
	v4 =	vld.idx.msk [tilespmem:v4+s14+$0x0], $0xffff;
	s6 =	sor.u32 s7, s6;
	[tilespmem:s16+$0x0] =	vst v15  }
0xcb: {  	s17 =	sor.u32 $0x12000, s24;
	v8 =	vld.idx.msk [tilespmem:v8+s14+$0x0], $0xffff;
	[tilespmem:s6+$0x0] =	vst v10  }
0xcc: {  	s19 =	sor.u32 s23, s17;
	[tilespmem:s21+$0x0] =	vst v7;
	v10 =	vld.idx.msk [tilespmem:v17+s14+$0x0], $0xffff  }
0xcd: {  	s1 =	sor.u32 s8, s1;
	[tilespmem:s19+$0x0] =	vst v13;
	v9 =	vld.idx.msk [tilespmem:v16+s14+$0x0], $0xffff  }
0xce: {  	[tilespmem:s1+$0x0] =	vst v12;
	v12 =	vadd.s32 $0x18, v3;
	s6 =	sor.u32 s4, s10;
	v7 =	vld.idx.msk [tilespmem:v14+s14+$0x0], $0xffff  }
0xcf: {  	s16 =	sor.u32 s13, s10;
	[tilespmem:s6+$0x0] =	vst v2;
	v2 =	vld.idx.msk [tilespmem:v0+s14+$0x0], $0xffff;
	v13 =	vadd.s32 $0x18, v5  }
0xd0: {  	s18 =	sor.u32 s22, s17;
	v11 =	vadd.s32 $0x20, v11;
	[tilespmem:s16+$0x0] =	vst v4;
	v16 =	vld.idx.msk [tilespmem:v21+s14+$0x0], $0xffff  }
0xd1: {  	s16 =	sor.u32 s15, s17;
	s19 =	sor.u32 $0x14000, s24;
	v14 =	vadd.s32 $0x8, v0;
	[tilespmem:s18+$0x0] =	vst v8;
	v4 =	vld.idx.msk [tilespmem:v19+s14+$0x0], $0xffff  }
0xd2: {  	v25 =	vadd.s32 $0x18, v6;
	v15 =	vld.idx.msk [tilespmem:v20+s14+$0x0], $0xffff;
	s13 =	sor.u32 s23, s19;
	[tilespmem:s16+$0x0] =	vst v9  }
0xd3: {  	s17 =	sor.u32 s7, s17;
	v24 =	vld.idx.msk [tilespmem:v12+s14+$0x0], $0xffff;
	[tilespmem:s13+$0x0] =	vst v7;
	v7 =	vadd.s32 $0x8, v19  }
0xd4: {  	v22 =	vadd.s32 $0x8, v20;
	[tilespmem:s17+$0x0] =	vst v10;
	v17 =	vld.idx.msk [tilespmem:v13+s14+$0x0], $0xffff  }
0xd5: {  	v23 =	vadd.s32 $0x8, v21;
	[tilespmem:s9+$0xE000] =	vst v2;
	v11 =	vld.idx.msk [tilespmem:v11+s14+$0x0], $0xffff  }
0xd6: {  	s20 =	simm.s32 $0x800000;
	s4 =	simm.s32 $0x18;
	v8 =	vadd.s32 $0x10, v21;
	v18 =	vld.idx.msk [tilespmem:v14+s14+$0x0], $0xffff;
	[tilespmem:s11+$0xE000] =	vst v4;
	v4 =	vadd.s32 $0x20, v3  }
0xd7: {  	s18 =	sor.u32 $0x16000, s24;
	s24 =	sor.u32 s7, s19;
	v12 =	vadd.s32 $0x20, v20;
	v10 =	vadd.s32 $0x10, v19;
	v3 =	vadd.s32 $0x20, v5;
	s1 =	rddreg [dreg:$0x8];
	[tilespmem:s5+$0xE000] =	vst v16;
	v16 =	vld.idx.msk [tilespmem:v25+s14+$0x0], $0xffff  }
0xd8: {  	s21 =	sor.u32 s22, s19;
	s23 =	sor.u32 s23, s18;
	s7 =	sor.u32 s7, s18;
	v9 =	vadd.s32 $0x10, v20;
	[tilespmem:s12+$0xE000] =	vst v15;
	v14 =	vld.idx.msk [tilespmem:v7+s14+$0x0], $0xffff;
	v7 =	vadd.s32 $0x18, v20;
	v20 =	vadd.s32 $0x10, v0  }
0xd9: {  	v2 =	vadd.s32 $0x20, v1;
	v1 =	vadd.s32 $0x20, v6;
	v6 =	vadd.s32 $0x18, v21;
	s9 =	sor.u32 $0x10000, s30;
	s13 =	sor.u32 s8, s10;
	s11 =	sor.u32 s15, s19;
	[tilespmem:s21+$0x0] =	vst v24;
	v15 =	vld.idx.msk [tilespmem:v22+s14+$0x0], $0xffff  }
0xda: {  	v13 =	vadd.s32 $0x20, v19;
	v5 =	vadd.s32 $0x18, v19;
	s19 =	sor.u32 s22, s18;
	s15 =	sor.u32 s15, s18;
	s8 =	sadd.s32 s1, s25;
	v19 =	vld.idx.msk [tilespmem:v23+s14+$0x0], $0xffff;
	[tilespmem:s23+$0x0] =	vst v11;
	v11 =	vadd.s32 $0x20, v21  }
.LBB2_5:
0xdb: {  	s0 =	sadd.s32 $0x40, s0;
	s1 =	sor.u32 s2, s9;
	s3 =	sadd.s32 $0x200, s3;
	v21 =	vld.idx.msk [tilespmem:v4+s14+$0x0], $0xffff;
	[tilespmem:s11+$0x0] =	vst v17;
	v4 =	vmov v13  }
0xdc: {  	s6 =	sand.u32 $0x380, s4;
	s22 =	sand.u32 $0x40, s0;
	s5 =	sand.u32 $0x1C00, s3;
	[tilespmem:s1+$0x0] =	vst v18;
	v13 =	vld.idx.msk [tilespmem:v3+s14+$0x0], $0xffff;
	v3 =	vmov v12  }
0xdd: {  	s5 =	sor.u32 s6, s5;
	s21 =	sor.u32 $0x10, s22;
	s23 =	sor.u32 $0x30, s22;
	v12 =	vld.idx.msk [tilespmem:v20+s14+$0x0], $0xffff  }
0xde: {  	s11 =	sor.u32 $0x20, s22;
	s12 =	sor.u32 s21, s5;
	s10 =	sor.u32 s23, s5;
	v17 =	vld.idx.msk [tilespmem:v2+s14+$0x0], $0xffff;
	v2 =	vmov v1;
	v1 =	vmov v11  }
0xdf: {  	s16 =	sor.u32 s28, s9;
	v18 =	vadd.s32 $0x18, v0;
	s1 =	sor.u32 s22, s5;
	s6 =	sor.u32 s11, s5;
	v11 =	vld [tilespmem:s10+$0x2000]  }
0xe0: {  	s17 =	sor.u32 s29, s9;
	p0 =	slt.u32 s0, $0x1FC0;
	v20 =	vld [tilespmem:s12+$0x2000];
	[tilespmem:s16+$0x0] =	vst v19;
	s16 =	sor.u32 s31, s9  }
0xe1: {  	s18 =	sor.u32 $0x12000, s30;
	s9 =	smov.u32 s29;
	s29 =	smov.u32 s11;
	v19 =	vld [tilespmem:s6+$0x2000];
	[tilespmem:s16+$0x0] =	vst v14  }
0xe2: {  	s11 =	sor.u32 s31, s18;
	s16 =	sor.u32 s28, s18;
	v14 =	vld [tilespmem:s1+$0x2000];
	[tilespmem:s17+$0x0] =	vst v15;
	s17 =	sor.u32 s2, s18  }
0xe3: {  	s18 =	sor.u32 s9, s18;
	v15 =	vld.idx.msk [tilespmem:v10+s14+$0x0], $0xffff;
	[tilespmem:s17+$0x0] =	vst v12  }
0xe4: {  	v18 =	vld.idx.msk [tilespmem:v18+s14+$0x0], $0xffff;
	[tilespmem:s24+$0x0] =	vst v16  }
0xe5: {  	v16 =	vadd.s32 $0x8, v20;
	v10 =	vadd.s32 $0x10, v20;
	v22 =	vadd.s32 $0x18, v20;
	v23 =	vld.idx.msk [tilespmem:v9+s14+$0x0], $0xffff;
	[tilespmem:s19+$0x0] =	vst v21  }
0xe6: {  	v25 =	vadd.s32 $0x20, v0;
	v0 =	vmovc v11;
	v21 =	vadd.s32 $0x8, v19;
	v9 =	vadd.s32 $0x10, v19;
	v24 =	vld.idx.msk [tilespmem:v8+s14+$0x0], $0xffff;
	[tilespmem:s15+$0x0] =	vst v13  }
0xe7: {  	v27 =	vadd.s32 $0x18, v19;
	v26 =	vadd.s32 $0x8, v14;
	v8 =	vadd.s32 $0x10, v14;
	v28 =	vld.idx.msk [tilespmem:v11+s14+$0x0], $0xffff;
	[tilespmem:s13+$0x0] =	vst v17;
	s13 =	smov.u32 s7  }
0xe8: {  	v13 =	vadd.s32 $0x20, v20;
	v12 =	vadd.s32 $0x20, v19;
	v29 =	vadd.s32 $0x18, v14;
	s7 =	sor.u32 $0x14000, s30;
	v30 =	vld.idx.msk [tilespmem:v20+s14+$0x0], $0xffff  }
0xe9: {  	v11 =	vadd.s32 $0x20, v14;
	v20 =	vadd.s32 $0x8, v0;
	s24 =	sor.u32 s28, s7;
	s17 =	sor.u32 s31, s7;
	s15 =	sor.u32 s2, s7;
	v19 =	vld.idx.msk [tilespmem:v19+s14+$0x0], $0xffff;
	[tilespmem:s11+$0x0] =	vst v15  }
0xea: {  	s11 =	sor.u32 s9, s7;
	v15 =	vld.idx.msk [tilespmem:v14+s14+$0x0], $0xffff;
	[tilespmem:s15+$0x0] =	vst v18  }
0xeb: {  	[tilespmem:s18+$0x0] =	vst v23;
	v23 =	vld.idx.msk [tilespmem:v25+s14+$0x0], $0xffff  }
0xec: {  	[tilespmem:s16+$0x0] =	vst v24;
	v24 =	vld.idx.msk [tilespmem:v5+s14+$0x0], $0xffff;
	v5 =	vmov v22  }
0xed: {  	[tilespmem:s10+$0xE000] =	vst v28;
	v17 =	vld.idx.msk [tilespmem:v7+s14+$0x0], $0xffff;
	v7 =	vmov v27  }
.Ltmp3:
0xee: {  	[tilespmem:s12+$0xE000] =	vst v30;
	v18 =	vld.idx.msk [tilespmem:v20+s14+$0x0], $0xffff;
	(pc) =	sbr.rel @p0 .LBB2_5-.Ltmp3, $4  }
0xef: {  	v14 =	vld.idx.msk [tilespmem:v16+s14+$0x0], $0xffff;
	[tilespmem:s6+$0xE000] =	vst v19;
	s6 =	sor.u32 $0x16000, s30;
	s30 =	smov.u32 s5  }
0xf0: {  	v20 =	vadd.s32 $0x10, v0;
	[tilespmem:s1+$0xE000] =	vst v15;
	v15 =	vld.idx.msk [tilespmem:v21+s14+$0x0], $0xffff;
	s7 =	sor.u32 s28, s6;
	s19 =	sor.u32 s31, s6;
	s1 =	sor.u32 s2, s6  }
0xf1: {  	s15 =	sor.u32 s9, s6;
	s28 =	smov.u32 s22;
	s31 =	smov.u32 s21;
	v19 =	vld.idx.msk [tilespmem:v26+s14+$0x0], $0xffff;
	[tilespmem:s1+$0x0] =	vst v23  }
0xf2: {  	s4 =	sadd.s32 $0x8, s4;
	s9 =	sor.u32 $0x10000, s30;
	s2 =	smov.u32 s23;
	v16 =	vld.idx.msk [tilespmem:v6+s14+$0x0], $0xffff;
	[tilespmem:s17+$0x0] =	vst v24;
	v6 =	vmov v29  }
0xf3: {  	_ =	sdelay $0x1  }
0xf4: {  	s0 =	sor.u32 s2, s9  }
0xf5: {  	s5 =	sor.u32 s31, s9;
	[tilespmem:s0+$0x0] =	vst v18  }
0xf6: {  	s1 =	sor.u32 s29, s9;
	[tilespmem:s5+$0x0] =	vst v14;
	v18 =	vld.idx.msk [tilespmem:v20+s14+$0x0], $0xffff  }
0xf7: {  	v59 =	vadd.s32 $0x18, v0;
	s6 =	sor.u32 s28, s9;
	[tilespmem:s1+$0x0] =	vst v15;
	v10 =	vld.idx.msk [tilespmem:v10+s14+$0x0], $0xffff  }
0xf8: {  	v9 =	vld.idx.msk [tilespmem:v9+s14+$0x0], $0xffff;
	[tilespmem:s6+$0x0] =	vst v19  }
0xf9: {  	s9 =	sor.u32 $0x12000, s30;
	[tilespmem:s11+$0x0] =	vst v17;
	v8 =	vld.idx.msk [tilespmem:v8+s14+$0x0], $0xffff  }
0xfa: {  	v4 =	vld.idx.msk [tilespmem:v4+s14+$0x0], $0xffff;
	s10 =	sor.u32 s2, s9;
	[tilespmem:s24+$0x0] =	vst v16  }
0xfb: {  	v2 =	vld.idx.msk [tilespmem:v2+s14+$0x0], $0xffff;
	s3 =	sor.u32 s31, s9;
	[tilespmem:s10+$0x0] =	vst v18  }
0xfc: {  	s11 =	sor.u32 s29, s9;
	[tilespmem:s3+$0x0] =	vst v10;
	v14 =	vld.idx.msk [tilespmem:v59+s14+$0x0], $0xffff  }
0xfd: {  	v60 =	vadd.s32 $0x20, v0;
	s0 =	sor.u32 s28, s9;
	[tilespmem:s11+$0x0] =	vst v9;
	v5 =	vld.idx.msk [tilespmem:v5+s14+$0x0], $0xffff  }
0xfe: {  	v7 =	vld.idx.msk [tilespmem:v7+s14+$0x0], $0xffff;
	[tilespmem:s0+$0x0] =	vst v8  }
0xff: {  	s12 =	sor.u32 $0x14000, s30;
	[tilespmem:s19+$0x0] =	vst v4;
	v61 =	vld.idx.msk [tilespmem:v6+s14+$0x0], $0xffff  }
0x100: {  	v3 =	vld.idx.msk [tilespmem:v3+s14+$0x0], $0xffff;
	s16 =	sor.u32 s2, s12;
	[tilespmem:s13+$0x0] =	vst v2  }
0x101: {  	s17 =	sor.u32 s31, s12;
	v1 =	vld.idx.msk [tilespmem:v1+s14+$0x0], $0xffff;
	[tilespmem:s16+$0x0] =	vst v14  }
0x102: {  	s18 =	sor.u32 s29, s12;
	[tilespmem:s17+$0x0] =	vst v5;
	v0 =	vld.idx.msk [tilespmem:v60+s14+$0x0], $0xffff  }
0x103: {  	s19 =	sor.u32 s28, s12;
	v5 =	vld.idx.msk [tilespmem:v13+s14+$0x0], $0xffff;
	[tilespmem:s18+$0x0] =	vst v7  }
0x104: {  	v62 =	vld.idx.msk [tilespmem:v12+s14+$0x0], $0xffff;
	[tilespmem:s19+$0x0] =	vst v61  }
0x105: {  	s21 =	sor.u32 $0x16000, s30;
	[tilespmem:s15+$0x0] =	vst v3;
	v63 =	vld.idx.msk [tilespmem:v11+s14+$0x0], $0xffff  }
0x106: {  	s22 =	sor.u32 s2, s21;
	[tilespmem:s7+$0x0] =	vst v1  }
0x107: {  	s23 =	sor.u32 s31, s21;
	[tilespmem:s22+$0x0] =	vst v0  }
0x108: {  	s24 =	sor.u32 s29, s21;
	[tilespmem:s23+$0x0] =	vst v5  }
.Ltmp4:
0x109: {  	s29 =	sor.u32 s28, s21;
	[tilespmem:s24+$0x0] =	vst v62;
	(pc) =	sbr.rel @p1 .LBB2_8-.Ltmp4, $4  }
0x10a: {  	[tilespmem:s29+$0x0] =	vst v63  }
0x10b: {  	s30 =	sshll.u32 s8, $0xB;
	s0 =	rddreg [dreg:$0x9]  }
0x10c: {  	s2 =	simm.s32 $0x2000;
	s31 =	simm.s32 $0xE000;
	s0 =	sadd.s32 s30, s0  }
0x10d: {  	[hbm4b:s0+s2] =	stream.strided.scatter [tilespmem:s31], [sflag:$0x4], $0xA000, s20, s2, $0x38;
	[tilespmem:$0x18080] =	vst v63  }
.Ltmp5:
0x10e: {  	s0 =	rddreg [dreg:$0xa];
	(pc) =	sbr.rel .LBB2_2-.Ltmp5, $4  }
0x10f: {  	s0 =	sadd.s32 s26, s0  }
0x110: {  	s1 =	rddreg [dreg:$0x0];
	s31 =	simm.s32 $0x0;
	s0 =	sshll.u32 s0, $0xA  }
0x111: {  	s20 =	simm.s32 $0x2000;
	s25 =	sadd.s32 $0x1, s25;
	s0 =	sadd.s32 s1, s0  }
0x112: {  	[tilespmem:s2], [sflag:$0x2] =	stream.linear.gather [hbm4b:s0+s31], $0x2000, $0x38;
	[tilespmem:$0x18080] =	vst v63  }
.LBB2_9:
0x113: {  	_ =	sfence.sel $0x180000  }
0x114: {  	[bflag:$0x0] =	sbarrier.arrive $0xFFFF  }
0x115: {  	_ =	strace $0x90000047  }
0x116: {  	s0 =	stileid.u32;
	[bflag:$0x2] =	sbarrier.arrive $0xFFFF  }
0x117: {  	p0 =	sne.s32 s0, $0x0;
	s0 =	rddreg [dreg:$0x3]  }
0x118: {  	s0 =	sadd.s32 @!p0 $0x100000, s0  }
0x119: {  	[sflag:s0] =	ssyncadd.tile.s32 @!p0 $0x1;
	_ =	shalt  }
.Lfunc_end2:
_tile_overlayer_lowered:
.L_overlay_start_2:
0x11a: {  	(tag) =	ssettag $0x2  }
0x11b: {  	s0 =	rddreg [dreg:$0x0];
	s2 =	stileid.u32  }
0x11c: {  	s1 =	rddreg [dreg:$0x1];
	p0 =	sne.s32 s2, $0x0  }
0x11d: {  	s3 =	rddreg [dreg:$0x2];
	[bflag:$0x3] =	sbarrier.arrive $0xFFFF;
	s2 =	simm.s32 @!p0 $0x1C05  }
0x11e: {  	[timem:s3], [sflag:s2] =	dma.local @!p0 [hbm:s0], s1  }
0x11f: {  	s0 =	simm.s32 @!p0 $0x5  }
0x120: {  	_ =	swait.ge @!p0 [sflag:s0], s1  }
0x121: {  	s1 =	ssub.s32 @!p0 $0x0, s1;
	[sflag:s0] =	ssyncset.done @!p0 $0x0  }
0x122: {  	[sflag:s0] =	ssyncadd.s32 @!p0 s1  }
0x123: {  	[bflag:$0x3] =	sbarrier.arrive $0xFFFF  }
0x124: {  	_ =	shalt  }

</sc_bundles>
